<compile_context>
chip_gen: v7x
topology: tpu7x:2x2x1
jax: 0.10.2.dev20260603
libtpu: 0.0.44.dev20260713+nightly
codegen_flags: <defaults>
</compile_context>

<pallas_src>
import functools

import numpy as np
import jax
import jax.numpy as jnp
from jax import lax
from jax.experimental import pallas as pl
from jax.experimental.pallas import tpu as pltpu
from jax.experimental.pallas import tpu_sc as plsc

FIELD = 26
EMB = 16

_NC = 2
_NS = 16
_NW = _NC * _NS

_POOL = np.tile(np.eye(EMB, dtype=np.float32), (FIELD, 1))


def _sc_gather(xf2d, sec, fst, total):
    per_w = total // _NW
    chunk = 1024
    ng = chunk // 128
    n_chunks = per_w // chunk
    mesh = plsc.VectorSubcoreMesh(core_axis_name="c", subcore_axis_name="s")

    @functools.partial(
        pl.kernel,
        mesh=mesh,
        compiler_params=pltpu.CompilerParams(use_tc_tiling_on_sc=False),
        out_type=[
            jax.ShapeDtypeStruct((total, EMB), jnp.float32),
            jax.ShapeDtypeStruct((total,), jnp.float32),
        ],
        scratch_types=[
            pltpu.VMEM((ng, 128), jnp.int32),
            pltpu.VMEM((chunk, EMB), jnp.float32),
            pltpu.VMEM((chunk,), jnp.float32),
            pltpu.SemaphoreType.DMA,
            pltpu.SemaphoreType.DMA,
        ],
    )
    def body(xf_hbm, sec_hbm, fst_hbm, demb_out, fst_out,
             idx_v, rows_v, fv_v, sem_r, sem_f):
        wid = lax.axis_index("s") * _NC + lax.axis_index("c")
        base = wid * per_w

        def chunk_body(c, carry):
            off = base + c * chunk
            row_off = pl.multiple_of(off // 128, 8)
            pltpu.sync_copy(xf_hbm.at[pl.ds(row_off, ng)], idx_v)
            copies = []
            for j in range(ng):
                copies.append(pltpu.async_copy(
                    sec_hbm.at[idx_v.at[j]],
                    rows_v.at[pl.ds(j * 128, 128)], sem_r))
                copies.append(pltpu.async_copy(
                    fst_hbm.at[idx_v.at[j]],
                    fv_v.at[pl.ds(j * 128, 128)], sem_f))
            for cp in copies:
                cp.wait()
            pltpu.sync_copy(rows_v, demb_out.at[pl.ds(off, chunk)])
            pltpu.sync_copy(fv_v, fst_out.at[pl.ds(off, chunk)])
            return carry

        lax.fori_loop(0, n_chunks, chunk_body, 0)

    return body(xf2d, sec, fst)


def _tc1_body(demb_ref, first_ref, wp_ref, b1_ref, h_ref, s12_ref):
    demb = demb_ref[...]
    wp = wp_ref[...]
    hv = jnp.dot(demb, wp, preferred_element_type=jnp.float32)
    sum_vec = hv[:, :EMB]
    sumsq = jnp.dot(demb * demb, wp[:, :EMB],
                    preferred_element_type=jnp.float32)
    s2 = 0.5 * jnp.sum(sum_vec * sum_vec - sumsq, axis=1)
    s1 = jnp.sum(first_ref[...], axis=1)
    h_ref[...] = hv[:, EMB:] + b1_ref[...]
    s12_ref[...] = s1 + s2


def _tc2_body(h_ref, s12_ref, g1_ref, be1_ref, w2t_ref, b2_ref, g2_ref,
              be2_ref, bias_ref, out_ref):
    h = h_ref[...]
    m1 = jnp.mean(h, axis=0)
    v1 = jnp.mean((h - m1) ** 2, axis=0)
    h = (h - m1) / jnp.sqrt(v1 + 1e-5) * g1_ref[...] + be1_ref[...]
    h = jnp.maximum(h, 0.0)

    h2 = jnp.dot(h, w2t_ref[...], preferred_element_type=jnp.float32)
    h2 = h2 + b2_ref[...]
    m2 = jnp.mean(h2, axis=0)
    v2 = jnp.mean((h2 - m2) ** 2, axis=0)
    h2 = (h2 - m2) / jnp.sqrt(v2 + 1e-5) * g2_ref[...] + be2_ref[...]
    h2 = jnp.maximum(h2, 0.0)
    sd = jnp.sum(h2, axis=1)

    z = s12_ref[...] + sd + bias_ref[...]
    out_ref[...] = 1.0 / (1.0 + jnp.exp(-z))


def kernel(x, fm_first_w, fm_second_w, w1, b1, g1, be1, w2, b2, g2, be2, bias):
    B, F = x.shape
    total = B * F
    xf2d = x.reshape(total // 128, 128)
    demb_flat, fvals = _sc_gather(xf2d, fm_second_w, fm_first_w[:, 0], total)
    demb = demb_flat.reshape(B, F * EMB)
    first = fvals.reshape(B, F)

    cb = 2048
    nb = B // cb
    d = F * EMB
    wp = jnp.concatenate([jnp.asarray(_POOL), w1.T], axis=1)
    h, s12 = pl.pallas_call(
        _tc1_body,
        grid=(nb,),
        in_specs=[
            pl.BlockSpec((cb, d), lambda i: (i, 0)),
            pl.BlockSpec((cb, F), lambda i: (i, 0)),
            pl.BlockSpec((d, EMB + 12), lambda i: (0, 0)),
            pl.BlockSpec((12,), lambda i: (0,)),
        ],
        out_specs=[
            pl.BlockSpec((cb, 12), lambda i: (i, 0)),
            pl.BlockSpec((cb,), lambda i: (i,)),
        ],
        out_shape=[
            jax.ShapeDtypeStruct((B, 12), jnp.float32),
            jax.ShapeDtypeStruct((B,), jnp.float32),
        ],
    )(demb, first, wp, b1)

    out = pl.pallas_call(
        _tc2_body,
        out_shape=jax.ShapeDtypeStruct((B,), jnp.float32),
    )(h, s12, g1, be1, w2.T, b2, g2, be2, bias)
    return out

# --- scband reference (transcript-rebuilt; emitter-appended) ---
"""Pipeline reference for scband-deep-fm-54631984005561 (READ-ONLY COPY).

The authoritative reference and input builder live on the scoring server;
editing this copy changes nothing except your own understanding.
"""

import jax, jax.numpy as jnp
import numpy as np

FIELD = 26
EMB = 16
VOCAB = 26 * 40000
L1 = 12
L2 = 8
BATCH = 16384


def _bn(h, g, b, eps=1e-5):
    m = h.mean(axis=0)
    v = h.var(axis=0)
    return (h - m) / jnp.sqrt(v + eps) * g + b


def setup_inputs(seed: int = 0) -> dict:
    key = jax.random.key(seed)
    ks = jax.random.split(key, 8)
    stdv = float(np.sqrt(1.0 / FIELD))
    x = jax.random.randint(ks[0], (BATCH, FIELD), 0, VOCAB, dtype=jnp.int32)
    fm_first_w = jax.random.normal(ks[1], (VOCAB, 1), dtype=jnp.float32) * stdv
    fm_second_w = jax.random.normal(ks[2], (VOCAB, EMB), dtype=jnp.float32) * stdv
    w1 = jax.random.normal(ks[3], (L1, FIELD * EMB), dtype=jnp.float32) * float(1.0 / np.sqrt(FIELD * EMB))
    b1 = jnp.zeros((L1,), dtype=jnp.float32)
    g1 = jnp.ones((L1,), dtype=jnp.float32)
    be1 = jnp.zeros((L1,), dtype=jnp.float32)
    w2 = jax.random.normal(ks[4], (L2, L1), dtype=jnp.float32) * float(1.0 / np.sqrt(L1))
    b2 = jnp.zeros((L2,), dtype=jnp.float32)
    g2 = jnp.ones((L2,), dtype=jnp.float32)
    be2 = jnp.zeros((L2,), dtype=jnp.float32)
    bias = jax.random.normal(ks[5], (1,), dtype=jnp.float32)
    return {
        'x': x,
        'fm_first_w': fm_first_w,
        'fm_second_w': fm_second_w,
        'w1': w1, 'b1': b1, 'g1': g1, 'be1': be1,
        'w2': w2, 'b2': b2, 'g2': g2, 'be2': be2,
        'bias': bias,
    }


def reference(x, fm_first_w, fm_second_w, w1, b1, g1, be1, w2, b2, g2, be2, bias):
    B = x.shape[0]
    x1 = x.reshape(-1)
    # FM first-order: gather from [VOCAB, 1] table
    fm_first = jnp.take(fm_first_w, x1, axis=0).reshape(B, -1)
    # FM second-order: gather from [VOCAB, EMB] table
    fm_sec_emb = jnp.take(fm_second_w, x1, axis=0).reshape(B, FIELD, EMB)
    fm_sum_sec_emb = jnp.sum(fm_sec_emb, axis=1)
    fm_sum_sec_emb_squ = fm_sum_sec_emb * fm_sum_sec_emb
    fm_sec_emb_squ_sum = jnp.sum(fm_sec_emb * fm_sec_emb, axis=1)
    fm_second = (fm_sum_sec_emb_squ - fm_sec_emb_squ_sum) * 0.5
    # Deep part (dropout is identity with p=0.0; BatchNorm uses batch stats, train-mode)
    deep_emb = fm_sec_emb.reshape(B, -1)
    x_deep = jax.nn.relu(_bn(deep_emb @ w1.T + b1, g1, be1))
    x_deep = jax.nn.relu(_bn(x_deep @ w2.T + b2, g2, be2))
    total_sum = jax.nn.sigmoid(jnp.sum(fm_first, axis=1) + jnp.sum(fm_second, axis=1) + jnp.sum(x_deep, axis=1) + bias[0])
    return total_sum

if __name__ == "__main__":
    import jax
    _d = setup_inputs()
    print(jax.jit(kernel)(*tuple(_d.values())))

</pallas_src>

<mosaic_0001>
#map = affine_map<(d0, d1) -> (0, 0)>
#map1 = affine_map<(d0, d1) -> (0)>
module attributes {stable_mosaic.version = 14 : i64} {
  func.func @body(%arg0: i32, %arg1: i32, %arg2: memref<3328x128xi32, #tpu.memory_space<hbm>>, %arg3: memref<1040000x16xf32, #tpu.memory_space<hbm>>, %arg4: memref<1040000xf32, #tpu.memory_space<hbm>>, %arg5: memref<425984x16xf32, #tpu.memory_space<hbm>>, %arg6: memref<425984xf32, #tpu.memory_space<hbm>>, %arg7: memref<8x128xi32, #tpu.memory_space<vmem>>, %arg8: memref<1024x16xf32, #tpu.memory_space<vmem>>, %arg9: memref<1024xf32, #tpu.memory_space<vmem>>, %arg10: memref<!tpu.dma_semaphore, #tpu.memory_space<semaphore_mem>>, %arg11: memref<!tpu.dma_semaphore, #tpu.memory_space<semaphore_mem>>) attributes {dimension_semantics = [#tpu.dimension_semantics<core_parallel>, #tpu.dimension_semantics<subcore_parallel>], iteration_bounds = array<i64: 2, 16>, scalar_prefetch = 0 : i64, scratch_operands = 5 : i64, tpu.core_type = #tpu.core_type<sc_vector_subcore>, window_params = [{transform_indices = #map}, {transform_indices = #map}, {transform_indices = #map1}, {transform_indices = #map}, {transform_indices = #map1}]} {
    %mul3A = arith.constant 2 : i32
    %mul3A_0 = arith.muli %arg1, %mul3A : i32
    %add3A = arith.addi %mul3A_0, %arg0 : i32
    %mul3A_1 = arith.constant 13312 : i32
    %mul3A_2 = arith.muli %add3A, %mul3A_1 : i32
    %scan3A = arith.constant 0 : i32
    %scan3A_3 = arith.constant 0 : i32
    %scan3A_4 = arith.constant 13 : i32
    %scan3A_5 = arith.addi %scan3A_3, %scan3A_4 : i32
    %scan3A_6 = arith.constant 1 : i32
    scf.for %scan3A_8 = %scan3A_3 to %scan3A_5 step %scan3A_6  : i32 {
      %mul3A_9 = arith.constant 1024 : i32
      %mul3A_10 = arith.muli %scan3A_8, %mul3A_9 : i32
      %add3A_11 = arith.addi %mul3A_2, %mul3A_10 : i32
      %jit3A = arith.constant 128 : i32
      %div3A = arith.divsi %add3A_11, %jit3A : i32
      %sign3A = arith.constant 0 : i32
      %sign3A_12 = arith.cmpi sgt, %add3A_11, %sign3A : i32
      %sign3A_13 = arith.extui %sign3A_12 : i1 to i32
      %sign3A_14 = arith.constant 0 : i32
      %sign3A_15 = arith.cmpi slt, %add3A_11, %sign3A_14 : i32
      %sign3A_16 = arith.extui %sign3A_15 : i1 to i32
      %sign3A_17 = arith.subi %sign3A_13, %sign3A_16 : i32
      %sign3A_18 = arith.constant 0 : i32
      %sign3A_19 = arith.cmpi sgt, %jit3A, %sign3A_18 : i32
      %sign3A_20 = arith.extui %sign3A_19 : i1 to i32
      %sign3A_21 = arith.constant 0 : i32
      %sign3A_22 = arith.cmpi slt, %jit3A, %sign3A_21 : i32
      %sign3A_23 = arith.extui %sign3A_22 : i1 to i32
      %sign3A_24 = arith.subi %sign3A_20, %sign3A_23 : i32
      %ne3A = arith.cmpi ne, %sign3A_17, %sign3A_24 : i32
      %rem3A = arith.remsi %add3A_11, %jit3A : i32
      %ne3A_25 = arith.constant 0 : i32
      %ne3A_26 = arith.cmpi ne, %rem3A, %ne3A_25 : i32
      %and3A = arith.andi %ne3A, %ne3A_26 : i1
      %sub3A = arith.constant 1 : i32
      %sub3A_27 = arith.subi %div3A, %sub3A : i32
      %select_n3A = arith.select %and3A, %sub3A_27, %div3A : i32
      %multiple_of3A = tpu.assume_multiple %select_n3A, 8 : i32
      "tpu.region"() ({
        %run_scoped3A = tpu.sem_alloc : memref<!tpu.dma_semaphore, #tpu.memory_space<semaphore_mem>>
        %dma_start3A_314 = arith.constant 0 : i32
        %dma_start3A_315 = tpu.memref_slice %arg2[%multiple_of3A, %dma_start3A_314] : memref<3328x128xi32, #tpu.memory_space<hbm>> -> memref<8x128xi32, #tpu.memory_space<hbm>>
        %dma_start3A_316 = arith.constant 0 : i32
        %dma_start3A_317 = tpu.memref_slice %arg2[%multiple_of3A, %dma_start3A_316] : memref<3328x128xi32, #tpu.memory_space<hbm>> -> memref<8x128xi32, #tpu.memory_space<hbm>>
        tpu.enqueue_dma source(%dma_start3A_317 : memref<8x128xi32, #tpu.memory_space<hbm>>) target(%arg7 : memref<8x128xi32, #tpu.memory_space<vmem>>) target_semaphore(%run_scoped3A : memref<!tpu.dma_semaphore, #tpu.memory_space<semaphore_mem>>)
        %dma_wait3A_318 = arith.constant 0 : i32
        %dma_wait3A_319 = tpu.memref_slice %arg2[%multiple_of3A, %dma_wait3A_318] : memref<3328x128xi32, #tpu.memory_space<hbm>> -> memref<8x128xi32, #tpu.memory_space<hbm>>
        %dma_wait3A_320 = arith.constant 0 : i32
        %dma_wait3A_321 = tpu.memref_slice %arg2[%multiple_of3A, %dma_wait3A_320] : memref<3328x128xi32, #tpu.memory_space<hbm>> -> memref<8x128xi32, #tpu.memory_space<hbm>>
        tpu.wait_dma2 semaphore(%run_scoped3A : memref<!tpu.dma_semaphore, #tpu.memory_space<semaphore_mem>>) src(%dma_wait3A_321 : memref<8x128xi32, #tpu.memory_space<hbm>>) dst(%arg7 : memref<8x128xi32, #tpu.memory_space<vmem>>)
        tpu.yield
      }) : () -> ()
      %dma_start3A = arith.constant 0 : i32
      %dma_start3A_28 = arith.constant 0 : i32
      %dma_start3A_29 = arith.constant 0 : i32
      %dma_start3A_30 = tpu.memref_slice %arg8[%dma_start3A_28, %dma_start3A_29] : memref<1024x16xf32, #tpu.memory_space<vmem>> -> memref<128x16xf32, #tpu.memory_space<vmem>>
      %dma_start3A_31 = arith.constant 0 : i32
      %dma_start3A_32 = tpu.memref_slice %arg7[%dma_start3A, %dma_start3A_31] : memref<8x128xi32, #tpu.memory_space<vmem>> -> memref<1x128xi32, #tpu.memory_space<vmem>>
      %dma_start3A_33 = tpu.memref_squeeze %dma_start3A_32 : memref<1x128xi32, #tpu.memory_space<vmem>> -> memref<128xi32, #tpu.memory_space<vmem>>
      %dma_start3A_34 = arith.constant 0 : i32
      %dma_start3A_35 = arith.constant 0 : i32
      %dma_start3A_36 = tpu.memref_slice %arg3[%dma_start3A_34, %dma_start3A_35] : memref<1040000x16xf32, #tpu.memory_space<hbm>> -> memref<1040000x16xf32, #tpu.memory_space<hbm>>
      tpu.enqueue_indirect_dma source(%dma_start3A_36 : memref<1040000x16xf32, #tpu.memory_space<hbm>>) target(%dma_start3A_30 : memref<128x16xf32, #tpu.memory_space<vmem>>) offsets(%dma_start3A_33 : memref<128xi32, #tpu.memory_space<vmem>>) semaphore(%arg10 : memref<!tpu.dma_semaphore, #tpu.memory_space<semaphore_mem>>)
      %dma_start3A_37 = arith.constant 0 : i32
      %dma_start3A_38 = arith.constant 0 : i32
      %dma_start3A_39 = tpu.memref_slice %arg9[%dma_start3A_38] : memref<1024xf32, #tpu.memory_space<vmem>> -> memref<128xf32, #tpu.memory_space<vmem>>
      %dma_start3A_40 = arith.constant 0 : i32
      %dma_start3A_41 = tpu.memref_slice %arg7[%dma_start3A_37, %dma_start3A_40] : memref<8x128xi32, #tpu.memory_space<vmem>> -> memref<1x128xi32, #tpu.memory_space<vmem>>
      %dma_start3A_42 = tpu.memref_squeeze %dma_start3A_41 : memref<1x128xi32, #tpu.memory_space<vmem>> -> memref<128xi32, #tpu.memory_space<vmem>>
      %dma_start3A_43 = arith.constant 0 : i32
      %dma_start3A_44 = tpu.memref_slice %arg4[%dma_start3A_43] : memref<1040000xf32, #tpu.memory_space<hbm>> -> memref<1040000xf32, #tpu.memory_space<hbm>>
      tpu.enqueue_indirect_dma source(%dma_start3A_44 : memref<1040000xf32, #tpu.memory_space<hbm>>) target(%dma_start3A_39 : memref<128xf32, #tpu.memory_space<vmem>>) offsets(%dma_start3A_42 : memref<128xi32, #tpu.memory_space<vmem>>) semaphore(%arg11 : memref<!tpu.dma_semaphore, #tpu.memory_space<semaphore_mem>>)
      %dma_start3A_45 = arith.constant 1 : i32
      %dma_start3A_46 = arith.constant 128 : i32
      %dma_start3A_47 = arith.constant 0 : i32
      %dma_start3A_48 = tpu.memref_slice %arg8[%dma_start3A_46, %dma_start3A_47] : memref<1024x16xf32, #tpu.memory_space<vmem>> -> memref<128x16xf32, #tpu.memory_space<vmem>>
      %dma_start3A_49 = arith.constant 0 : i32
      %dma_start3A_50 = tpu.memref_slice %arg7[%dma_start3A_45, %dma_start3A_49] : memref<8x128xi32, #tpu.memory_space<vmem>> -> memref<1x128xi32, #tpu.memory_space<vmem>>
      %dma_start3A_51 = tpu.memref_squeeze %dma_start3A_50 : memref<1x128xi32, #tpu.memory_space<vmem>> -> memref<128xi32, #tpu.memory_space<vmem>>
      %dma_start3A_52 = arith.constant 0 : i32
      %dma_start3A_53 = arith.constant 0 : i32
      %dma_start3A_54 = tpu.memref_slice %arg3[%dma_start3A_52, %dma_start3A_53] : memref<1040000x16xf32, #tpu.memory_space<hbm>> -> memref<1040000x16xf32, #tpu.memory_space<hbm>>
      tpu.enqueue_indirect_dma source(%dma_start3A_54 : memref<1040000x16xf32, #tpu.memory_space<hbm>>) target(%dma_start3A_48 : memref<128x16xf32, #tpu.memory_space<vmem>>) offsets(%dma_start3A_51 : memref<128xi32, #tpu.memory_space<vmem>>) semaphore(%arg10 : memref<!tpu.dma_semaphore, #tpu.memory_space<semaphore_mem>>)
      %dma_start3A_55 = arith.constant 1 : i32
      %dma_start3A_56 = arith.constant 128 : i32
      %dma_start3A_57 = tpu.memref_slice %arg9[%dma_start3A_56] : memref<1024xf32, #tpu.memory_space<vmem>> -> memref<128xf32, #tpu.memory_space<vmem>>
      %dma_start3A_58 = arith.constant 0 : i32
      %dma_start3A_59 = tpu.memref_slice %arg7[%dma_start3A_55, %dma_start3A_58] : memref<8x128xi32, #tpu.memory_space<vmem>> -> memref<1x128xi32, #tpu.memory_space<vmem>>
      %dma_start3A_60 = tpu.memref_squeeze %dma_start3A_59 : memref<1x128xi32, #tpu.memory_space<vmem>> -> memref<128xi32, #tpu.memory_space<vmem>>
      %dma_start3A_61 = arith.constant 0 : i32
      %dma_start3A_62 = tpu.memref_slice %arg4[%dma_start3A_61] : memref<1040000xf32, #tpu.memory_space<hbm>> -> memref<1040000xf32, #tpu.memory_space<hbm>>
      tpu.enqueue_indirect_dma source(%dma_start3A_62 : memref<1040000xf32, #tpu.memory_space<hbm>>) target(%dma_start3A_57 : memref<128xf32, #tpu.memory_space<vmem>>) offsets(%dma_start3A_60 : memref<128xi32, #tpu.memory_space<vmem>>) semaphore(%arg11 : memref<!tpu.dma_semaphore, #tpu.memory_space<semaphore_mem>>)
      %dma_start3A_63 = arith.constant 2 : i32
      %dma_start3A_64 = arith.constant 256 : i32
      %dma_start3A_65 = arith.constant 0 : i32
      %dma_start3A_66 = tpu.memref_slice %arg8[%dma_start3A_64, %dma_start3A_65] : memref<1024x16xf32, #tpu.memory_space<vmem>> -> memref<128x16xf32, #tpu.memory_space<vmem>>
      %dma_start3A_67 = arith.constant 0 : i32
      %dma_start3A_68 = tpu.memref_slice %arg7[%dma_start3A_63, %dma_start3A_67] : memref<8x128xi32, #tpu.memory_space<vmem>> -> memref<1x128xi32, #tpu.memory_space<vmem>>
      %dma_start3A_69 = tpu.memref_squeeze %dma_start3A_68 : memref<1x128xi32, #tpu.memory_space<vmem>> -> memref<128xi32, #tpu.memory_space<vmem>>
      %dma_start3A_70 = arith.constant 0 : i32
      %dma_start3A_71 = arith.constant 0 : i32
      %dma_start3A_72 = tpu.memref_slice %arg3[%dma_start3A_70, %dma_start3A_71] : memref<1040000x16xf32, #tpu.memory_space<hbm>> -> memref<1040000x16xf32, #tpu.memory_space<hbm>>
      tpu.enqueue_indirect_dma source(%dma_start3A_72 : memref<1040000x16xf32, #tpu.memory_space<hbm>>) target(%dma_start3A_66 : memref<128x16xf32, #tpu.memory_space<vmem>>) offsets(%dma_start3A_69 : memref<128xi32, #tpu.memory_space<vmem>>) semaphore(%arg10 : memref<!tpu.dma_semaphore, #tpu.memory_space<semaphore_mem>>)
      %dma_start3A_73 = arith.constant 2 : i32
      %dma_start3A_74 = arith.constant 256 : i32
      %dma_start3A_75 = tpu.memref_slice %arg9[%dma_start3A_74] : memref<1024xf32, #tpu.memory_space<vmem>> -> memref<128xf32, #tpu.memory_space<vmem>>
      %dma_start3A_76 = arith.constant 0 : i32
      %dma_start3A_77 = tpu.memref_slice %arg7[%dma_start3A_73, %dma_start3A_76] : memref<8x128xi32, #tpu.memory_space<vmem>> -> memref<1x128xi32, #tpu.memory_space<vmem>>
      %dma_start3A_78 = tpu.memref_squeeze %dma_start3A_77 : memref<1x128xi32, #tpu.memory_space<vmem>> -> memref<128xi32, #tpu.memory_space<vmem>>
      %dma_start3A_79 = arith.constant 0 : i32
      %dma_start3A_80 = tpu.memref_slice %arg4[%dma_start3A_79] : memref<1040000xf32, #tpu.memory_space<hbm>> -> memref<1040000xf32, #tpu.memory_space<hbm>>
      tpu.enqueue_indirect_dma source(%dma_start3A_80 : memref<1040000xf32, #tpu.memory_space<hbm>>) target(%dma_start3A_75 : memref<128xf32, #tpu.memory_space<vmem>>) offsets(%dma_start3A_78 : memref<128xi32, #tpu.memory_space<vmem>>) semaphore(%arg11 : memref<!tpu.dma_semaphore, #tpu.memory_space<semaphore_mem>>)
      %dma_start3A_81 = arith.constant 3 : i32
      %dma_start3A_82 = arith.constant 384 : i32
      %dma_start3A_83 = arith.constant 0 : i32
      %dma_start3A_84 = tpu.memref_slice %arg8[%dma_start3A_82, %dma_start3A_83] : memref<1024x16xf32, #tpu.memory_space<vmem>> -> memref<128x16xf32, #tpu.memory_space<vmem>>
      %dma_start3A_85 = arith.constant 0 : i32
      %dma_start3A_86 = tpu.memref_slice %arg7[%dma_start3A_81, %dma_start3A_85] : memref<8x128xi32, #tpu.memory_space<vmem>> -> memref<1x128xi32, #tpu.memory_space<vmem>>
      %dma_start3A_87 = tpu.memref_squeeze %dma_start3A_86 : memref<1x128xi32, #tpu.memory_space<vmem>> -> memref<128xi32, #tpu.memory_space<vmem>>
      %dma_start3A_88 = arith.constant 0 : i32
      %dma_start3A_89 = arith.constant 0 : i32
      %dma_start3A_90 = tpu.memref_slice %arg3[%dma_start3A_88, %dma_start3A_89] : memref<1040000x16xf32, #tpu.memory_space<hbm>> -> memref<1040000x16xf32, #tpu.memory_space<hbm>>
      tpu.enqueue_indirect_dma source(%dma_start3A_90 : memref<1040000x16xf32, #tpu.memory_space<hbm>>) target(%dma_start3A_84 : memref<128x16xf32, #tpu.memory_space<vmem>>) offsets(%dma_start3A_87 : memref<128xi32, #tpu.memory_space<vmem>>) semaphore(%arg10 : memref<!tpu.dma_semaphore, #tpu.memory_space<semaphore_mem>>)
      %dma_start3A_91 = arith.constant 3 : i32
      %dma_start3A_92 = arith.constant 384 : i32
      %dma_start3A_93 = tpu.memref_slice %arg9[%dma_start3A_92] : memref<1024xf32, #tpu.memory_space<vmem>> -> memref<128xf32, #tpu.memory_space<vmem>>
      %dma_start3A_94 = arith.constant 0 : i32
      %dma_start3A_95 = tpu.memref_slice %arg7[%dma_start3A_91, %dma_start3A_94] : memref<8x128xi32, #tpu.memory_space<vmem>> -> memref<1x128xi32, #tpu.memory_space<vmem>>
      %dma_start3A_96 = tpu.memref_squeeze %dma_start3A_95 : memref<1x128xi32, #tpu.memory_space<vmem>> -> memref<128xi32, #tpu.memory_space<vmem>>
      %dma_start3A_97 = arith.constant 0 : i32
      %dma_start3A_98 = tpu.memref_slice %arg4[%dma_start3A_97] : memref<1040000xf32, #tpu.memory_space<hbm>> -> memref<1040000xf32, #tpu.memory_space<hbm>>
      tpu.enqueue_indirect_dma source(%dma_start3A_98 : memref<1040000xf32, #tpu.memory_space<hbm>>) target(%dma_start3A_93 : memref<128xf32, #tpu.memory_space<vmem>>) offsets(%dma_start3A_96 : memref<128xi32, #tpu.memory_space<vmem>>) semaphore(%arg11 : memref<!tpu.dma_semaphore, #tpu.memory_space<semaphore_mem>>)
      %dma_start3A_99 = arith.constant 4 : i32
      %dma_start3A_100 = arith.constant 512 : i32
      %dma_start3A_101 = arith.constant 0 : i32
      %dma_start3A_102 = tpu.memref_slice %arg8[%dma_start3A_100, %dma_start3A_101] : memref<1024x16xf32, #tpu.memory_space<vmem>> -> memref<128x16xf32, #tpu.memory_space<vmem>>
      %dma_start3A_103 = arith.constant 0 : i32
      %dma_start3A_104 = tpu.memref_slice %arg7[%dma_start3A_99, %dma_start3A_103] : memref<8x128xi32, #tpu.memory_space<vmem>> -> memref<1x128xi32, #tpu.memory_space<vmem>>
      %dma_start3A_105 = tpu.memref_squeeze %dma_start3A_104 : memref<1x128xi32, #tpu.memory_space<vmem>> -> memref<128xi32, #tpu.memory_space<vmem>>
      %dma_start3A_106 = arith.constant 0 : i32
      %dma_start3A_107 = arith.constant 0 : i32
      %dma_start3A_108 = tpu.memref_slice %arg3[%dma_start3A_106, %dma_start3A_107] : memref<1040000x16xf32, #tpu.memory_space<hbm>> -> memref<1040000x16xf32, #tpu.memory_space<hbm>>
      tpu.enqueue_indirect_dma source(%dma_start3A_108 : memref<1040000x16xf32, #tpu.memory_space<hbm>>) target(%dma_start3A_102 : memref<128x16xf32, #tpu.memory_space<vmem>>) offsets(%dma_start3A_105 : memref<128xi32, #tpu.memory_space<vmem>>) semaphore(%arg10 : memref<!tpu.dma_semaphore, #tpu.memory_space<semaphore_mem>>)
      %dma_start3A_109 = arith.constant 4 : i32
      %dma_start3A_110 = arith.constant 512 : i32
      %dma_start3A_111 = tpu.memref_slice %arg9[%dma_start3A_110] : memref<1024xf32, #tpu.memory_space<vmem>> -> memref<128xf32, #tpu.memory_space<vmem>>
      %dma_start3A_112 = arith.constant 0 : i32
      %dma_start3A_113 = tpu.memref_slice %arg7[%dma_start3A_109, %dma_start3A_112] : memref<8x128xi32, #tpu.memory_space<vmem>> -> memref<1x128xi32, #tpu.memory_space<vmem>>
      %dma_start3A_114 = tpu.memref_squeeze %dma_start3A_113 : memref<1x128xi32, #tpu.memory_space<vmem>> -> memref<128xi32, #tpu.memory_space<vmem>>
      %dma_start3A_115 = arith.constant 0 : i32
      %dma_start3A_116 = tpu.memref_slice %arg4[%dma_start3A_115] : memref<1040000xf32, #tpu.memory_space<hbm>> -> memref<1040000xf32, #tpu.memory_space<hbm>>
      tpu.enqueue_indirect_dma source(%dma_start3A_116 : memref<1040000xf32, #tpu.memory_space<hbm>>) target(%dma_start3A_111 : memref<128xf32, #tpu.memory_space<vmem>>) offsets(%dma_start3A_114 : memref<128xi32, #tpu.memory_space<vmem>>) semaphore(%arg11 : memref<!tpu.dma_semaphore, #tpu.memory_space<semaphore_mem>>)
      %dma_start3A_117 = arith.constant 5 : i32
      %dma_start3A_118 = arith.constant 640 : i32
      %dma_start3A_119 = arith.constant 0 : i32
      %dma_start3A_120 = tpu.memref_slice %arg8[%dma_start3A_118, %dma_start3A_119] : memref<1024x16xf32, #tpu.memory_space<vmem>> -> memref<128x16xf32, #tpu.memory_space<vmem>>
      %dma_start3A_121 = arith.constant 0 : i32
      %dma_start3A_122 = tpu.memref_slice %arg7[%dma_start3A_117, %dma_start3A_121] : memref<8x128xi32, #tpu.memory_space<vmem>> -> memref<1x128xi32, #tpu.memory_space<vmem>>
      %dma_start3A_123 = tpu.memref_squeeze %dma_start3A_122 : memref<1x128xi32, #tpu.memory_space<vmem>> -> memref<128xi32, #tpu.memory_space<vmem>>
      %dma_start3A_124 = arith.constant 0 : i32
      %dma_start3A_125 = arith.constant 0 : i32
      %dma_start3A_126 = tpu.memref_slice %arg3[%dma_start3A_124, %dma_start3A_125] : memref<1040000x16xf32, #tpu.memory_space<hbm>> -> memref<1040000x16xf32, #tpu.memory_space<hbm>>
      tpu.enqueue_indirect_dma source(%dma_start3A_126 : memref<1040000x16xf32, #tpu.memory_space<hbm>>) target(%dma_start3A_120 : memref<128x16xf32, #tpu.memory_space<vmem>>) offsets(%dma_start3A_123 : memref<128xi32, #tpu.memory_space<vmem>>) semaphore(%arg10 : memref<!tpu.dma_semaphore, #tpu.memory_space<semaphore_mem>>)
      %dma_start3A_127 = arith.constant 5 : i32
      %dma_start3A_128 = arith.constant 640 : i32
      %dma_start3A_129 = tpu.memref_slice %arg9[%dma_start3A_128] : memref<1024xf32, #tpu.memory_space<vmem>> -> memref<128xf32, #tpu.memory_space<vmem>>
      %dma_start3A_130 = arith.constant 0 : i32
      %dma_start3A_131 = tpu.memref_slice %arg7[%dma_start3A_127, %dma_start3A_130] : memref<8x128xi32, #tpu.memory_space<vmem>> -> memref<1x128xi32, #tpu.memory_space<vmem>>
      %dma_start3A_132 = tpu.memref_squeeze %dma_start3A_131 : memref<1x128xi32, #tpu.memory_space<vmem>> -> memref<128xi32, #tpu.memory_space<vmem>>
      %dma_start3A_133 = arith.constant 0 : i32
      %dma_start3A_134 = tpu.memref_slice %arg4[%dma_start3A_133] : memref<1040000xf32, #tpu.memory_space<hbm>> -> memref<1040000xf32, #tpu.memory_space<hbm>>
      tpu.enqueue_indirect_dma source(%dma_start3A_134 : memref<1040000xf32, #tpu.memory_space<hbm>>) target(%dma_start3A_129 : memref<128xf32, #tpu.memory_space<vmem>>) offsets(%dma_start3A_132 : memref<128xi32, #tpu.memory_space<vmem>>) semaphore(%arg11 : memref<!tpu.dma_semaphore, #tpu.memory_space<semaphore_mem>>)
      %dma_start3A_135 = arith.constant 6 : i32
      %dma_start3A_136 = arith.constant 768 : i32
      %dma_start3A_137 = arith.constant 0 : i32
      %dma_start3A_138 = tpu.memref_slice %arg8[%dma_start3A_136, %dma_start3A_137] : memref<1024x16xf32, #tpu.memory_space<vmem>> -> memref<128x16xf32, #tpu.memory_space<vmem>>
      %dma_start3A_139 = arith.constant 0 : i32
      %dma_start3A_140 = tpu.memref_slice %arg7[%dma_start3A_135, %dma_start3A_139] : memref<8x128xi32, #tpu.memory_space<vmem>> -> memref<1x128xi32, #tpu.memory_space<vmem>>
      %dma_start3A_141 = tpu.memref_squeeze %dma_start3A_140 : memref<1x128xi32, #tpu.memory_space<vmem>> -> memref<128xi32, #tpu.memory_space<vmem>>
      %dma_start3A_142 = arith.constant 0 : i32
      %dma_start3A_143 = arith.constant 0 : i32
      %dma_start3A_144 = tpu.memref_slice %arg3[%dma_start3A_142, %dma_start3A_143] : memref<1040000x16xf32, #tpu.memory_space<hbm>> -> memref<1040000x16xf32, #tpu.memory_space<hbm>>
      tpu.enqueue_indirect_dma source(%dma_start3A_144 : memref<1040000x16xf32, #tpu.memory_space<hbm>>) target(%dma_start3A_138 : memref<128x16xf32, #tpu.memory_space<vmem>>) offsets(%dma_start3A_141 : memref<128xi32, #tpu.memory_space<vmem>>) semaphore(%arg10 : memref<!tpu.dma_semaphore, #tpu.memory_space<semaphore_mem>>)
      %dma_start3A_145 = arith.constant 6 : i32
      %dma_start3A_146 = arith.constant 768 : i32
      %dma_start3A_147 = tpu.memref_slice %arg9[%dma_start3A_146] : memref<1024xf32, #tpu.memory_space<vmem>> -> memref<128xf32, #tpu.memory_space<vmem>>
      %dma_start3A_148 = arith.constant 0 : i32
      %dma_start3A_149 = tpu.memref_slice %arg7[%dma_start3A_145, %dma_start3A_148] : memref<8x128xi32, #tpu.memory_space<vmem>> -> memref<1x128xi32, #tpu.memory_space<vmem>>
      %dma_start3A_150 = tpu.memref_squeeze %dma_start3A_149 : memref<1x128xi32, #tpu.memory_space<vmem>> -> memref<128xi32, #tpu.memory_space<vmem>>
      %dma_start3A_151 = arith.constant 0 : i32
      %dma_start3A_152 = tpu.memref_slice %arg4[%dma_start3A_151] : memref<1040000xf32, #tpu.memory_space<hbm>> -> memref<1040000xf32, #tpu.memory_space<hbm>>
      tpu.enqueue_indirect_dma source(%dma_start3A_152 : memref<1040000xf32, #tpu.memory_space<hbm>>) target(%dma_start3A_147 : memref<128xf32, #tpu.memory_space<vmem>>) offsets(%dma_start3A_150 : memref<128xi32, #tpu.memory_space<vmem>>) semaphore(%arg11 : memref<!tpu.dma_semaphore, #tpu.memory_space<semaphore_mem>>)
      %dma_start3A_153 = arith.constant 7 : i32
      %dma_start3A_154 = arith.constant 896 : i32
      %dma_start3A_155 = arith.constant 0 : i32
      %dma_start3A_156 = tpu.memref_slice %arg8[%dma_start3A_154, %dma_start3A_155] : memref<1024x16xf32, #tpu.memory_space<vmem>> -> memref<128x16xf32, #tpu.memory_space<vmem>>
      %dma_start3A_157 = arith.constant 0 : i32
      %dma_start3A_158 = tpu.memref_slice %arg7[%dma_start3A_153, %dma_start3A_157] : memref<8x128xi32, #tpu.memory_space<vmem>> -> memref<1x128xi32, #tpu.memory_space<vmem>>
      %dma_start3A_159 = tpu.memref_squeeze %dma_start3A_158 : memref<1x128xi32, #tpu.memory_space<vmem>> -> memref<128xi32, #tpu.memory_space<vmem>>
      %dma_start3A_160 = arith.constant 0 : i32
      %dma_start3A_161 = arith.constant 0 : i32
      %dma_start3A_162 = tpu.memref_slice %arg3[%dma_start3A_160, %dma_start3A_161] : memref<1040000x16xf32, #tpu.memory_space<hbm>> -> memref<1040000x16xf32, #tpu.memory_space<hbm>>
      tpu.enqueue_indirect_dma source(%dma_start3A_162 : memref<1040000x16xf32, #tpu.memory_space<hbm>>) target(%dma_start3A_156 : memref<128x16xf32, #tpu.memory_space<vmem>>) offsets(%dma_start3A_159 : memref<128xi32, #tpu.memory_space<vmem>>) semaphore(%arg10 : memref<!tpu.dma_semaphore, #tpu.memory_space<semaphore_mem>>)
      %dma_start3A_163 = arith.constant 7 : i32
      %dma_start3A_164 = arith.constant 896 : i32
      %dma_start3A_165 = tpu.memref_slice %arg9[%dma_start3A_164] : memref<1024xf32, #tpu.memory_space<vmem>> -> memref<128xf32, #tpu.memory_space<vmem>>
      %dma_start3A_166 = arith.constant 0 : i32
      %dma_start3A_167 = tpu.memref_slice %arg7[%dma_start3A_163, %dma_start3A_166] : memref<8x128xi32, #tpu.memory_space<vmem>> -> memref<1x128xi32, #tpu.memory_space<vmem>>
      %dma_start3A_168 = tpu.memref_squeeze %dma_start3A_167 : memref<1x128xi32, #tpu.memory_space<vmem>> -> memref<128xi32, #tpu.memory_space<vmem>>
      %dma_start3A_169 = arith.constant 0 : i32
      %dma_start3A_170 = tpu.memref_slice %arg4[%dma_start3A_169] : memref<1040000xf32, #tpu.memory_space<hbm>> -> memref<1040000xf32, #tpu.memory_space<hbm>>
      tpu.enqueue_indirect_dma source(%dma_start3A_170 : memref<1040000xf32, #tpu.memory_space<hbm>>) target(%dma_start3A_165 : memref<128xf32, #tpu.memory_space<vmem>>) offsets(%dma_start3A_168 : memref<128xi32, #tpu.memory_space<vmem>>) semaphore(%arg11 : memref<!tpu.dma_semaphore, #tpu.memory_space<semaphore_mem>>)
      %dma_wait3A = arith.constant 0 : i32
      %dma_wait3A_171 = arith.constant 0 : i32
      %dma_wait3A_172 = arith.constant 0 : i32
      %dma_wait3A_173 = tpu.memref_slice %arg8[%dma_wait3A_171, %dma_wait3A_172] : memref<1024x16xf32, #tpu.memory_space<vmem>> -> memref<128x16xf32, #tpu.memory_space<vmem>>
      %dma_wait3A_174 = arith.constant 0 : i32
      %dma_wait3A_175 = tpu.memref_slice %arg7[%dma_wait3A, %dma_wait3A_174] : memref<8x128xi32, #tpu.memory_space<vmem>> -> memref<1x128xi32, #tpu.memory_space<vmem>>
      %dma_wait3A_176 = tpu.memref_squeeze %dma_wait3A_175 : memref<1x128xi32, #tpu.memory_space<vmem>> -> memref<128xi32, #tpu.memory_space<vmem>>
      %dma_wait3A_177 = arith.constant 0 : i32
      %dma_wait3A_178 = arith.constant 0 : i32
      %dma_wait3A_179 = tpu.memref_slice %arg3[%dma_wait3A_177, %dma_wait3A_178] : memref<1040000x16xf32, #tpu.memory_space<hbm>> -> memref<1040000x16xf32, #tpu.memory_space<hbm>>
      tpu.wait_indirect_dma semaphore(%arg10 : memref<!tpu.dma_semaphore, #tpu.memory_space<semaphore_mem>>) src(%dma_wait3A_179 : memref<1040000x16xf32, #tpu.memory_space<hbm>>) dst(%dma_wait3A_173 : memref<128x16xf32, #tpu.memory_space<vmem>>)
      %dma_wait3A_180 = arith.constant 0 : i32
      %dma_wait3A_181 = arith.constant 0 : i32
      %dma_wait3A_182 = tpu.memref_slice %arg9[%dma_wait3A_181] : memref<1024xf32, #tpu.memory_space<vmem>> -> memref<128xf32, #tpu.memory_space<vmem>>
      %dma_wait3A_183 = arith.constant 0 : i32
      %dma_wait3A_184 = tpu.memref_slice %arg7[%dma_wait3A_180, %dma_wait3A_183] : memref<8x128xi32, #tpu.memory_space<vmem>> -> memref<1x128xi32, #tpu.memory_space<vmem>>
      %dma_wait3A_185 = tpu.memref_squeeze %dma_wait3A_184 : memref<1x128xi32, #tpu.memory_space<vmem>> -> memref<128xi32, #tpu.memory_space<vmem>>
      %dma_wait3A_186 = arith.constant 0 : i32
      %dma_wait3A_187 = tpu.memref_slice %arg4[%dma_wait3A_186] : memref<1040000xf32, #tpu.memory_space<hbm>> -> memref<1040000xf32, #tpu.memory_space<hbm>>
      tpu.wait_indirect_dma semaphore(%arg11 : memref<!tpu.dma_semaphore, #tpu.memory_space<semaphore_mem>>) src(%dma_wait3A_187 : memref<1040000xf32, #tpu.memory_space<hbm>>) dst(%dma_wait3A_182 : memref<128xf32, #tpu.memory_space<vmem>>)
      %dma_wait3A_188 = arith.constant 1 : i32
      %dma_wait3A_189 = arith.constant 128 : i32
      %dma_wait3A_190 = arith.constant 0 : i32
      %dma_wait3A_191 = tpu.memref_slice %arg8[%dma_wait3A_189, %dma_wait3A_190] : memref<1024x16xf32, #tpu.memory_space<vmem>> -> memref<128x16xf32, #tpu.memory_space<vmem>>
      %dma_wait3A_192 = arith.constant 0 : i32
      %dma_wait3A_193 = tpu.memref_slice %arg7[%dma_wait3A_188, %dma_wait3A_192] : memref<8x128xi32, #tpu.memory_space<vmem>> -> memref<1x128xi32, #tpu.memory_space<vmem>>
      %dma_wait3A_194 = tpu.memref_squeeze %dma_wait3A_193 : memref<1x128xi32, #tpu.memory_space<vmem>> -> memref<128xi32, #tpu.memory_space<vmem>>
      %dma_wait3A_195 = arith.constant 0 : i32
      %dma_wait3A_196 = arith.constant 0 : i32
      %dma_wait3A_197 = tpu.memref_slice %arg3[%dma_wait3A_195, %dma_wait3A_196] : memref<1040000x16xf32, #tpu.memory_space<hbm>> -> memref<1040000x16xf32, #tpu.memory_space<hbm>>
      tpu.wait_indirect_dma semaphore(%arg10 : memref<!tpu.dma_semaphore, #tpu.memory_space<semaphore_mem>>) src(%dma_wait3A_197 : memref<1040000x16xf32, #tpu.memory_space<hbm>>) dst(%dma_wait3A_191 : memref<128x16xf32, #tpu.memory_space<vmem>>)
      %dma_wait3A_198 = arith.constant 1 : i32
      %dma_wait3A_199 = arith.constant 128 : i32
      %dma_wait3A_200 = tpu.memref_slice %arg9[%dma_wait3A_199] : memref<1024xf32, #tpu.memory_space<vmem>> -> memref<128xf32, #tpu.memory_space<vmem>>
      %dma_wait3A_201 = arith.constant 0 : i32
      %dma_wait3A_202 = tpu.memref_slice %arg7[%dma_wait3A_198, %dma_wait3A_201] : memref<8x128xi32, #tpu.memory_space<vmem>> -> memref<1x128xi32, #tpu.memory_space<vmem>>
      %dma_wait3A_203 = tpu.memref_squeeze %dma_wait3A_202 : memref<1x128xi32, #tpu.memory_space<vmem>> -> memref<128xi32, #tpu.memory_space<vmem>>
      %dma_wait3A_204 = arith.constant 0 : i32
      %dma_wait3A_205 = tpu.memref_slice %arg4[%dma_wait3A_204] : memref<1040000xf32, #tpu.memory_space<hbm>> -> memref<1040000xf32, #tpu.memory_space<hbm>>
      tpu.wait_indirect_dma semaphore(%arg11 : memref<!tpu.dma_semaphore, #tpu.memory_space<semaphore_mem>>) src(%dma_wait3A_205 : memref<1040000xf32, #tpu.memory_space<hbm>>) dst(%dma_wait3A_200 : memref<128xf32, #tpu.memory_space<vmem>>)
      %dma_wait3A_206 = arith.constant 2 : i32
      %dma_wait3A_207 = arith.constant 256 : i32
      %dma_wait3A_208 = arith.constant 0 : i32
      %dma_wait3A_209 = tpu.memref_slice %arg8[%dma_wait3A_207, %dma_wait3A_208] : memref<1024x16xf32, #tpu.memory_space<vmem>> -> memref<128x16xf32, #tpu.memory_space<vmem>>
      %dma_wait3A_210 = arith.constant 0 : i32
      %dma_wait3A_211 = tpu.memref_slice %arg7[%dma_wait3A_206, %dma_wait3A_210] : memref<8x128xi32, #tpu.memory_space<vmem>> -> memref<1x128xi32, #tpu.memory_space<vmem>>
      %dma_wait3A_212 = tpu.memref_squeeze %dma_wait3A_211 : memref<1x128xi32, #tpu.memory_space<vmem>> -> memref<128xi32, #tpu.memory_space<vmem>>
      %dma_wait3A_213 = arith.constant 0 : i32
      %dma_wait3A_214 = arith.constant 0 : i32
      %dma_wait3A_215 = tpu.memref_slice %arg3[%dma_wait3A_213, %dma_wait3A_214] : memref<1040000x16xf32, #tpu.memory_space<hbm>> -> memref<1040000x16xf32, #tpu.memory_space<hbm>>
      tpu.wait_indirect_dma semaphore(%arg10 : memref<!tpu.dma_semaphore, #tpu.memory_space<semaphore_mem>>) src(%dma_wait3A_215 : memref<1040000x16xf32, #tpu.memory_space<hbm>>) dst(%dma_wait3A_209 : memref<128x16xf32, #tpu.memory_space<vmem>>)
      %dma_wait3A_216 = arith.constant 2 : i32
      %dma_wait3A_217 = arith.constant 256 : i32
      %dma_wait3A_218 = tpu.memref_slice %arg9[%dma_wait3A_217] : memref<1024xf32, #tpu.memory_space<vmem>> -> memref<128xf32, #tpu.memory_space<vmem>>
      %dma_wait3A_219 = arith.constant 0 : i32
      %dma_wait3A_220 = tpu.memref_slice %arg7[%dma_wait3A_216, %dma_wait3A_219] : memref<8x128xi32, #tpu.memory_space<vmem>> -> memref<1x128xi32, #tpu.memory_space<vmem>>
      %dma_wait3A_221 = tpu.memref_squeeze %dma_wait3A_220 : memref<1x128xi32, #tpu.memory_space<vmem>> -> memref<128xi32, #tpu.memory_space<vmem>>
      %dma_wait3A_222 = arith.constant 0 : i32
      %dma_wait3A_223 = tpu.memref_slice %arg4[%dma_wait3A_222] : memref<1040000xf32, #tpu.memory_space<hbm>> -> memref<1040000xf32, #tpu.memory_space<hbm>>
      tpu.wait_indirect_dma semaphore(%arg11 : memref<!tpu.dma_semaphore, #tpu.memory_space<semaphore_mem>>) src(%dma_wait3A_223 : memref<1040000xf32, #tpu.memory_space<hbm>>) dst(%dma_wait3A_218 : memref<128xf32, #tpu.memory_space<vmem>>)
      %dma_wait3A_224 = arith.constant 3 : i32
      %dma_wait3A_225 = arith.constant 384 : i32
      %dma_wait3A_226 = arith.constant 0 : i32
      %dma_wait3A_227 = tpu.memref_slice %arg8[%dma_wait3A_225, %dma_wait3A_226] : memref<1024x16xf32, #tpu.memory_space<vmem>> -> memref<128x16xf32, #tpu.memory_space<vmem>>
      %dma_wait3A_228 = arith.constant 0 : i32
      %dma_wait3A_229 = tpu.memref_slice %arg7[%dma_wait3A_224, %dma_wait3A_228] : memref<8x128xi32, #tpu.memory_space<vmem>> -> memref<1x128xi32, #tpu.memory_space<vmem>>
      %dma_wait3A_230 = tpu.memref_squeeze %dma_wait3A_229 : memref<1x128xi32, #tpu.memory_space<vmem>> -> memref<128xi32, #tpu.memory_space<vmem>>
      %dma_wait3A_231 = arith.constant 0 : i32
      %dma_wait3A_232 = arith.constant 0 : i32
      %dma_wait3A_233 = tpu.memref_slice %arg3[%dma_wait3A_231, %dma_wait3A_232] : memref<1040000x16xf32, #tpu.memory_space<hbm>> -> memref<1040000x16xf32, #tpu.memory_space<hbm>>
      tpu.wait_indirect_dma semaphore(%arg10 : memref<!tpu.dma_semaphore, #tpu.memory_space<semaphore_mem>>) src(%dma_wait3A_233 : memref<1040000x16xf32, #tpu.memory_space<hbm>>) dst(%dma_wait3A_227 : memref<128x16xf32, #tpu.memory_space<vmem>>)
      %dma_wait3A_234 = arith.constant 3 : i32
      %dma_wait3A_235 = arith.constant 384 : i32
      %dma_wait3A_236 = tpu.memref_slice %arg9[%dma_wait3A_235] : memref<1024xf32, #tpu.memory_space<vmem>> -> memref<128xf32, #tpu.memory_space<vmem>>
      %dma_wait3A_237 = arith.constant 0 : i32
      %dma_wait3A_238 = tpu.memref_slice %arg7[%dma_wait3A_234, %dma_wait3A_237] : memref<8x128xi32, #tpu.memory_space<vmem>> -> memref<1x128xi32, #tpu.memory_space<vmem>>
      %dma_wait3A_239 = tpu.memref_squeeze %dma_wait3A_238 : memref<1x128xi32, #tpu.memory_space<vmem>> -> memref<128xi32, #tpu.memory_space<vmem>>
      %dma_wait3A_240 = arith.constant 0 : i32
      %dma_wait3A_241 = tpu.memref_slice %arg4[%dma_wait3A_240] : memref<1040000xf32, #tpu.memory_space<hbm>> -> memref<1040000xf32, #tpu.memory_space<hbm>>
      tpu.wait_indirect_dma semaphore(%arg11 : memref<!tpu.dma_semaphore, #tpu.memory_space<semaphore_mem>>) src(%dma_wait3A_241 : memref<1040000xf32, #tpu.memory_space<hbm>>) dst(%dma_wait3A_236 : memref<128xf32, #tpu.memory_space<vmem>>)
      %dma_wait3A_242 = arith.constant 4 : i32
      %dma_wait3A_243 = arith.constant 512 : i32
      %dma_wait3A_244 = arith.constant 0 : i32
      %dma_wait3A_245 = tpu.memref_slice %arg8[%dma_wait3A_243, %dma_wait3A_244] : memref<1024x16xf32, #tpu.memory_space<vmem>> -> memref<128x16xf32, #tpu.memory_space<vmem>>
      %dma_wait3A_246 = arith.constant 0 : i32
      %dma_wait3A_247 = tpu.memref_slice %arg7[%dma_wait3A_242, %dma_wait3A_246] : memref<8x128xi32, #tpu.memory_space<vmem>> -> memref<1x128xi32, #tpu.memory_space<vmem>>
      %dma_wait3A_248 = tpu.memref_squeeze %dma_wait3A_247 : memref<1x128xi32, #tpu.memory_space<vmem>> -> memref<128xi32, #tpu.memory_space<vmem>>
      %dma_wait3A_249 = arith.constant 0 : i32
      %dma_wait3A_250 = arith.constant 0 : i32
      %dma_wait3A_251 = tpu.memref_slice %arg3[%dma_wait3A_249, %dma_wait3A_250] : memref<1040000x16xf32, #tpu.memory_space<hbm>> -> memref<1040000x16xf32, #tpu.memory_space<hbm>>
      tpu.wait_indirect_dma semaphore(%arg10 : memref<!tpu.dma_semaphore, #tpu.memory_space<semaphore_mem>>) src(%dma_wait3A_251 : memref<1040000x16xf32, #tpu.memory_space<hbm>>) dst(%dma_wait3A_245 : memref<128x16xf32, #tpu.memory_space<vmem>>)
      %dma_wait3A_252 = arith.constant 4 : i32
      %dma_wait3A_253 = arith.constant 512 : i32
      %dma_wait3A_254 = tpu.memref_slice %arg9[%dma_wait3A_253] : memref<1024xf32, #tpu.memory_space<vmem>> -> memref<128xf32, #tpu.memory_space<vmem>>
      %dma_wait3A_255 = arith.constant 0 : i32
      %dma_wait3A_256 = tpu.memref_slice %arg7[%dma_wait3A_252, %dma_wait3A_255] : memref<8x128xi32, #tpu.memory_space<vmem>> -> memref<1x128xi32, #tpu.memory_space<vmem>>
      %dma_wait3A_257 = tpu.memref_squeeze %dma_wait3A_256 : memref<1x128xi32, #tpu.memory_space<vmem>> -> memref<128xi32, #tpu.memory_space<vmem>>
      %dma_wait3A_258 = arith.constant 0 : i32
      %dma_wait3A_259 = tpu.memref_slice %arg4[%dma_wait3A_258] : memref<1040000xf32, #tpu.memory_space<hbm>> -> memref<1040000xf32, #tpu.memory_space<hbm>>
      tpu.wait_indirect_dma semaphore(%arg11 : memref<!tpu.dma_semaphore, #tpu.memory_space<semaphore_mem>>) src(%dma_wait3A_259 : memref<1040000xf32, #tpu.memory_space<hbm>>) dst(%dma_wait3A_254 : memref<128xf32, #tpu.memory_space<vmem>>)
      %dma_wait3A_260 = arith.constant 5 : i32
      %dma_wait3A_261 = arith.constant 640 : i32
      %dma_wait3A_262 = arith.constant 0 : i32
      %dma_wait3A_263 = tpu.memref_slice %arg8[%dma_wait3A_261, %dma_wait3A_262] : memref<1024x16xf32, #tpu.memory_space<vmem>> -> memref<128x16xf32, #tpu.memory_space<vmem>>
      %dma_wait3A_264 = arith.constant 0 : i32
      %dma_wait3A_265 = tpu.memref_slice %arg7[%dma_wait3A_260, %dma_wait3A_264] : memref<8x128xi32, #tpu.memory_space<vmem>> -> memref<1x128xi32, #tpu.memory_space<vmem>>
      %dma_wait3A_266 = tpu.memref_squeeze %dma_wait3A_265 : memref<1x128xi32, #tpu.memory_space<vmem>> -> memref<128xi32, #tpu.memory_space<vmem>>
      %dma_wait3A_267 = arith.constant 0 : i32
      %dma_wait3A_268 = arith.constant 0 : i32
      %dma_wait3A_269 = tpu.memref_slice %arg3[%dma_wait3A_267, %dma_wait3A_268] : memref<1040000x16xf32, #tpu.memory_space<hbm>> -> memref<1040000x16xf32, #tpu.memory_space<hbm>>
      tpu.wait_indirect_dma semaphore(%arg10 : memref<!tpu.dma_semaphore, #tpu.memory_space<semaphore_mem>>) src(%dma_wait3A_269 : memref<1040000x16xf32, #tpu.memory_space<hbm>>) dst(%dma_wait3A_263 : memref<128x16xf32, #tpu.memory_space<vmem>>)
      %dma_wait3A_270 = arith.constant 5 : i32
      %dma_wait3A_271 = arith.constant 640 : i32
      %dma_wait3A_272 = tpu.memref_slice %arg9[%dma_wait3A_271] : memref<1024xf32, #tpu.memory_space<vmem>> -> memref<128xf32, #tpu.memory_space<vmem>>
      %dma_wait3A_273 = arith.constant 0 : i32
      %dma_wait3A_274 = tpu.memref_slice %arg7[%dma_wait3A_270, %dma_wait3A_273] : memref<8x128xi32, #tpu.memory_space<vmem>> -> memref<1x128xi32, #tpu.memory_space<vmem>>
      %dma_wait3A_275 = tpu.memref_squeeze %dma_wait3A_274 : memref<1x128xi32, #tpu.memory_space<vmem>> -> memref<128xi32, #tpu.memory_space<vmem>>
      %dma_wait3A_276 = arith.constant 0 : i32
      %dma_wait3A_277 = tpu.memref_slice %arg4[%dma_wait3A_276] : memref<1040000xf32, #tpu.memory_space<hbm>> -> memref<1040000xf32, #tpu.memory_space<hbm>>
      tpu.wait_indirect_dma semaphore(%arg11 : memref<!tpu.dma_semaphore, #tpu.memory_space<semaphore_mem>>) src(%dma_wait3A_277 : memref<1040000xf32, #tpu.memory_space<hbm>>) dst(%dma_wait3A_272 : memref<128xf32, #tpu.memory_space<vmem>>)
      %dma_wait3A_278 = arith.constant 6 : i32
      %dma_wait3A_279 = arith.constant 768 : i32
      %dma_wait3A_280 = arith.constant 0 : i32
      %dma_wait3A_281 = tpu.memref_slice %arg8[%dma_wait3A_279, %dma_wait3A_280] : memref<1024x16xf32, #tpu.memory_space<vmem>> -> memref<128x16xf32, #tpu.memory_space<vmem>>
      %dma_wait3A_282 = arith.constant 0 : i32
      %dma_wait3A_283 = tpu.memref_slice %arg7[%dma_wait3A_278, %dma_wait3A_282] : memref<8x128xi32, #tpu.memory_space<vmem>> -> memref<1x128xi32, #tpu.memory_space<vmem>>
      %dma_wait3A_284 = tpu.memref_squeeze %dma_wait3A_283 : memref<1x128xi32, #tpu.memory_space<vmem>> -> memref<128xi32, #tpu.memory_space<vmem>>
      %dma_wait3A_285 = arith.constant 0 : i32
      %dma_wait3A_286 = arith.constant 0 : i32
      %dma_wait3A_287 = tpu.memref_slice %arg3[%dma_wait3A_285, %dma_wait3A_286] : memref<1040000x16xf32, #tpu.memory_space<hbm>> -> memref<1040000x16xf32, #tpu.memory_space<hbm>>
      tpu.wait_indirect_dma semaphore(%arg10 : memref<!tpu.dma_semaphore, #tpu.memory_space<semaphore_mem>>) src(%dma_wait3A_287 : memref<1040000x16xf32, #tpu.memory_space<hbm>>) dst(%dma_wait3A_281 : memref<128x16xf32, #tpu.memory_space<vmem>>)
      %dma_wait3A_288 = arith.constant 6 : i32
      %dma_wait3A_289 = arith.constant 768 : i32
      %dma_wait3A_290 = tpu.memref_slice %arg9[%dma_wait3A_289] : memref<1024xf32, #tpu.memory_space<vmem>> -> memref<128xf32, #tpu.memory_space<vmem>>
      %dma_wait3A_291 = arith.constant 0 : i32
      %dma_wait3A_292 = tpu.memref_slice %arg7[%dma_wait3A_288, %dma_wait3A_291] : memref<8x128xi32, #tpu.memory_space<vmem>> -> memref<1x128xi32, #tpu.memory_space<vmem>>
      %dma_wait3A_293 = tpu.memref_squeeze %dma_wait3A_292 : memref<1x128xi32, #tpu.memory_space<vmem>> -> memref<128xi32, #tpu.memory_space<vmem>>
      %dma_wait3A_294 = arith.constant 0 : i32
      %dma_wait3A_295 = tpu.memref_slice %arg4[%dma_wait3A_294] : memref<1040000xf32, #tpu.memory_space<hbm>> -> memref<1040000xf32, #tpu.memory_space<hbm>>
      tpu.wait_indirect_dma semaphore(%arg11 : memref<!tpu.dma_semaphore, #tpu.memory_space<semaphore_mem>>) src(%dma_wait3A_295 : memref<1040000xf32, #tpu.memory_space<hbm>>) dst(%dma_wait3A_290 : memref<128xf32, #tpu.memory_space<vmem>>)
      %dma_wait3A_296 = arith.constant 7 : i32
      %dma_wait3A_297 = arith.constant 896 : i32
      %dma_wait3A_298 = arith.constant 0 : i32
      %dma_wait3A_299 = tpu.memref_slice %arg8[%dma_wait3A_297, %dma_wait3A_298] : memref<1024x16xf32, #tpu.memory_space<vmem>> -> memref<128x16xf32, #tpu.memory_space<vmem>>
      %dma_wait3A_300 = arith.constant 0 : i32
      %dma_wait3A_301 = tpu.memref_slice %arg7[%dma_wait3A_296, %dma_wait3A_300] : memref<8x128xi32, #tpu.memory_space<vmem>> -> memref<1x128xi32, #tpu.memory_space<vmem>>
      %dma_wait3A_302 = tpu.memref_squeeze %dma_wait3A_301 : memref<1x128xi32, #tpu.memory_space<vmem>> -> memref<128xi32, #tpu.memory_space<vmem>>
      %dma_wait3A_303 = arith.constant 0 : i32
      %dma_wait3A_304 = arith.constant 0 : i32
      %dma_wait3A_305 = tpu.memref_slice %arg3[%dma_wait3A_303, %dma_wait3A_304] : memref<1040000x16xf32, #tpu.memory_space<hbm>> -> memref<1040000x16xf32, #tpu.memory_space<hbm>>
      tpu.wait_indirect_dma semaphore(%arg10 : memref<!tpu.dma_semaphore, #tpu.memory_space<semaphore_mem>>) src(%dma_wait3A_305 : memref<1040000x16xf32, #tpu.memory_space<hbm>>) dst(%dma_wait3A_299 : memref<128x16xf32, #tpu.memory_space<vmem>>)
      %dma_wait3A_306 = arith.constant 7 : i32
      %dma_wait3A_307 = arith.constant 896 : i32
      %dma_wait3A_308 = tpu.memref_slice %arg9[%dma_wait3A_307] : memref<1024xf32, #tpu.memory_space<vmem>> -> memref<128xf32, #tpu.memory_space<vmem>>
      %dma_wait3A_309 = arith.constant 0 : i32
      %dma_wait3A_310 = tpu.memref_slice %arg7[%dma_wait3A_306, %dma_wait3A_309] : memref<8x128xi32, #tpu.memory_space<vmem>> -> memref<1x128xi32, #tpu.memory_space<vmem>>
      %dma_wait3A_311 = tpu.memref_squeeze %dma_wait3A_310 : memref<1x128xi32, #tpu.memory_space<vmem>> -> memref<128xi32, #tpu.memory_space<vmem>>
      %dma_wait3A_312 = arith.constant 0 : i32
      %dma_wait3A_313 = tpu.memref_slice %arg4[%dma_wait3A_312] : memref<1040000xf32, #tpu.memory_space<hbm>> -> memref<1040000xf32, #tpu.memory_space<hbm>>
      tpu.wait_indirect_dma semaphore(%arg11 : memref<!tpu.dma_semaphore, #tpu.memory_space<semaphore_mem>>) src(%dma_wait3A_313 : memref<1040000xf32, #tpu.memory_space<hbm>>) dst(%dma_wait3A_308 : memref<128xf32, #tpu.memory_space<vmem>>)
      "tpu.region"() ({
        %run_scoped3A = tpu.sem_alloc : memref<!tpu.dma_semaphore, #tpu.memory_space<semaphore_mem>>
        %dma_start3A_314 = arith.constant 0 : i32
        %dma_start3A_315 = tpu.memref_slice %arg5[%add3A_11, %dma_start3A_314] : memref<425984x16xf32, #tpu.memory_space<hbm>> -> memref<1024x16xf32, #tpu.memory_space<hbm>>
        %dma_start3A_316 = arith.constant 0 : i32
        %dma_start3A_317 = tpu.memref_slice %arg5[%add3A_11, %dma_start3A_316] : memref<425984x16xf32, #tpu.memory_space<hbm>> -> memref<1024x16xf32, #tpu.memory_space<hbm>>
        tpu.enqueue_dma source(%arg8 : memref<1024x16xf32, #tpu.memory_space<vmem>>) target(%dma_start3A_317 : memref<1024x16xf32, #tpu.memory_space<hbm>>) target_semaphore(%run_scoped3A : memref<!tpu.dma_semaphore, #tpu.memory_space<semaphore_mem>>)
        %dma_wait3A_318 = arith.constant 0 : i32
        %dma_wait3A_319 = tpu.memref_slice %arg5[%add3A_11, %dma_wait3A_318] : memref<425984x16xf32, #tpu.memory_space<hbm>> -> memref<1024x16xf32, #tpu.memory_space<hbm>>
        %dma_wait3A_320 = arith.constant 0 : i32
        %dma_wait3A_321 = tpu.memref_slice %arg5[%add3A_11, %dma_wait3A_320] : memref<425984x16xf32, #tpu.memory_space<hbm>> -> memref<1024x16xf32, #tpu.memory_space<hbm>>
        tpu.wait_dma2 semaphore(%run_scoped3A : memref<!tpu.dma_semaphore, #tpu.memory_space<semaphore_mem>>) src(%arg8 : memref<1024x16xf32, #tpu.memory_space<vmem>>) dst(%dma_wait3A_321 : memref<1024x16xf32, #tpu.memory_space<hbm>>)
        tpu.yield
      }) : () -> ()
      "tpu.region"() ({
        %run_scoped3A = tpu.sem_alloc : memref<!tpu.dma_semaphore, #tpu.memory_space<semaphore_mem>>
        %dma_start3A_314 = tpu.memref_slice %arg6[%add3A_11] : memref<425984xf32, #tpu.memory_space<hbm>> -> memref<1024xf32, #tpu.memory_space<hbm>>
        %dma_start3A_315 = tpu.memref_slice %arg6[%add3A_11] : memref<425984xf32, #tpu.memory_space<hbm>> -> memref<1024xf32, #tpu.memory_space<hbm>>
        tpu.enqueue_dma source(%arg9 : memref<1024xf32, #tpu.memory_space<vmem>>) target(%dma_start3A_315 : memref<1024xf32, #tpu.memory_space<hbm>>) target_semaphore(%run_scoped3A : memref<!tpu.dma_semaphore, #tpu.memory_space<semaphore_mem>>)
        %dma_wait3A_316 = tpu.memref_slice %arg6[%add3A_11] : memref<425984xf32, #tpu.memory_space<hbm>> -> memref<1024xf32, #tpu.memory_space<hbm>>
        %dma_wait3A_317 = tpu.memref_slice %arg6[%add3A_11] : memref<425984xf32, #tpu.memory_space<hbm>> -> memref<1024xf32, #tpu.memory_space<hbm>>
        tpu.wait_dma2 semaphore(%run_scoped3A : memref<!tpu.dma_semaphore, #tpu.memory_space<semaphore_mem>>) src(%arg9 : memref<1024xf32, #tpu.memory_space<vmem>>) dst(%dma_wait3A_317 : memref<1024xf32, #tpu.memory_space<hbm>>)
        tpu.yield
      }) : () -> ()
    }
    %scan3A_7 = arith.constant 13 : i32
    return
  }
}

module attributes {stable_mosaic.version = 14 : i64} {
  func.func @_tc1_body(%arg0: i32, %arg1: memref<2048x416xf32, #tpu.memory_space<vmem>>, %arg2: memref<2048x26xf32, #tpu.memory_space<vmem>>, %arg3: memref<416x28xf32, #tpu.memory_space<vmem>>, %arg4: memref<12xf32, #tpu.memory_space<vmem>>, %arg5: memref<2048x12xf32, #tpu.memory_space<vmem>>, %arg6: memref<2048xf32, #tpu.memory_space<vmem>>) attributes {dimension_semantics = [#tpu.dimension_semantics<arbitrary>], iteration_bounds = array<i64: 8>, scalar_prefetch = 0 : i64, scratch_operands = 0 : i64, tpu.core_type = #tpu.core_type<tc>, window_params = [{transform_indices = @transform_0, window_bounds = array<i64: 2048, 416>}, {transform_indices = @transform_1, window_bounds = array<i64: 2048, 26>}, {pipeline_mode = #tpu.pipeline_mode<synchronous>, transform_indices = @transform_2, window_bounds = array<i64: 416, 28>}, {pipeline_mode = #tpu.pipeline_mode<synchronous>, transform_indices = @transform_3, window_bounds = array<i64: 12>}, {transform_indices = @transform_4, window_bounds = array<i64: 2048, 12>}, {transform_indices = @transform_5, window_bounds = array<i64: 2048>}]} {
    %get3A = arith.constant 0 : index
    %get3A_0 = arith.constant 0 : index
    %get3A_1 = vector.load %arg1[%get3A, %get3A_0] : memref<2048x416xf32, #tpu.memory_space<vmem>>, vector<2048x416xf32>
    %get3A_2 = arith.constant 0 : index
    %get3A_3 = arith.constant 0 : index
    %get3A_4 = vector.load %arg3[%get3A_2, %get3A_3] : memref<416x28xf32, #tpu.memory_space<vmem>>, vector<416x28xf32>
    %dot_general3A = arith.constant dense<0.000000e+00> : vector<2048x28xf32>
    %dot_general3A_5 = tpu.matmul %get3A_1, %get3A_4, %dot_general3A {dimension_numbers = #tpu.dot_dimension_numbers<[1], [0], [0], [1], [0, 0, 1, 1], [], []>, transpose_lhs_hint = false} : vector<2048x416xf32>, vector<416x28xf32>, vector<2048x28xf32> -> vector<2048x28xf32>
    %slice3A = vector.extract_strided_slice %dot_general3A_5 {offsets = [0, 0], sizes = [2048, 16], strides = [1, 1]} : vector<2048x28xf32> to vector<2048x16xf32>
    %mul3A = arith.mulf %get3A_1, %get3A_1 : vector<2048x416xf32>
    %slice3A_6 = vector.extract_strided_slice %get3A_4 {offsets = [0, 0], sizes = [416, 16], strides = [1, 1]} : vector<416x28xf32> to vector<416x16xf32>
    %dot_general3A_7 = arith.constant dense<0.000000e+00> : vector<2048x16xf32>
    %dot_general3A_8 = tpu.matmul %mul3A, %slice3A_6, %dot_general3A_7 {dimension_numbers = #tpu.dot_dimension_numbers<[1], [0], [0], [1], [0, 0, 1, 1], [], []>, transpose_lhs_hint = false} : vector<2048x416xf32>, vector<416x16xf32>, vector<2048x16xf32> -> vector<2048x16xf32>
    %mul3A_9 = arith.mulf %slice3A, %slice3A : vector<2048x16xf32>
    %sub3A = arith.subf %mul3A_9, %dot_general3A_8 : vector<2048x16xf32>
    %reduce_sum3A = arith.constant dense<0.000000e+00> : vector<2048xf32>
    %reduce_sum3A_10 = vector.multi_reduction <add>, %sub3A, %reduce_sum3A [1] : vector<2048x16xf32> to vector<2048xf32>
    %mul3A_11 = arith.constant 5.000000e-01 : f32
    %mul3A_12 = vector.broadcast %mul3A_11 : f32 to vector<2048xf32>
    %mul3A_13 = arith.mulf %mul3A_12, %reduce_sum3A_10 : vector<2048xf32>
    %get3A_14 = arith.constant 0 : index
    %get3A_15 = arith.constant 0 : index
    %get3A_16 = vector.load %arg2[%get3A_14, %get3A_15] : memref<2048x26xf32, #tpu.memory_space<vmem>>, vector<2048x26xf32>
    %reduce_sum3A_17 = arith.constant dense<0.000000e+00> : vector<2048xf32>
    %reduce_sum3A_18 = vector.multi_reduction <add>, %get3A_16, %reduce_sum3A_17 [1] : vector<2048x26xf32> to vector<2048xf32>
    %slice3A_19 = vector.extract_strided_slice %dot_general3A_5 {offsets = [0, 16], sizes = [2048, 12], strides = [1, 1]} : vector<2048x28xf32> to vector<2048x12xf32>
    %get3A_20 = arith.constant 0 : index
    %get3A_21 = vector.load %arg4[%get3A_20] : memref<12xf32, #tpu.memory_space<vmem>>, vector<12xf32>
    %broadcast_in_dim3A = vector.shape_cast %get3A_21 : vector<12xf32> to vector<1x12xf32>
    %add3A = vector.broadcast %broadcast_in_dim3A : vector<1x12xf32> to vector<2048x12xf32>
    %add3A_22 = arith.addf %slice3A_19, %add3A : vector<2048x12xf32>
    %swap3A = arith.constant 0 : index
    %swap3A_23 = arith.constant 0 : index
    %swap3A_24 = vector.load %arg5[%swap3A, %swap3A_23] : memref<2048x12xf32, #tpu.memory_space<vmem>>, vector<2048x12xf32>
    tpu.vector_store %arg5[%swap3A, %swap3A_23], %add3A_22 {strides = array<i32>} : memref<2048x12xf32, #tpu.memory_space<vmem>>, vector<2048x12xf32>,
    %add3A_25 = arith.addf %reduce_sum3A_18, %mul3A_13 : vector<2048xf32>
    %swap3A_26 = arith.constant 0 : index
    %swap3A_27 = vector.load %arg6[%swap3A_26] : memref<2048xf32, #tpu.memory_space<vmem>>, vector<2048xf32>
    tpu.vector_store %arg6[%swap3A_26], %add3A_25 {strides = array<i32>} : memref<2048xf32, #tpu.memory_space<vmem>>, vector<2048xf32>,
    return
  }
  func.func @transform_0(%arg0: i32) -> (i32, i32) {
    %c0_i32 = arith.constant 0 : i32
    %c0_i32_0 = arith.constant 0 : i32
    return %arg0, %c0_i32 : i32, i32
  }
  func.func @transform_1(%arg0: i32) -> (i32, i32) {
    %c0_i32 = arith.constant 0 : i32
    %c0_i32_0 = arith.constant 0 : i32
    return %arg0, %c0_i32 : i32, i32
  }
  func.func @transform_2(%arg0: i32) -> (i32, i32) {
    %c0_i32 = arith.constant 0 : i32
    %c0_i32_0 = arith.constant 0 : i32
    %c0_i32_1 = arith.constant 0 : i32
    return %c0_i32, %c0_i32_0 : i32, i32
  }
  func.func @transform_3(%arg0: i32) -> i32 {
    %c0_i32 = arith.constant 0 : i32
    %c0_i32_0 = arith.constant 0 : i32
    return %c0_i32 : i32
  }
  func.func @transform_4(%arg0: i32) -> (i32, i32) {
    %c0_i32 = arith.constant 0 : i32
    %c0_i32_0 = arith.constant 0 : i32
    return %arg0, %c0_i32 : i32, i32
  }
  func.func @transform_5(%arg0: i32) -> i32 {
    %c0_i32 = arith.constant 0 : i32
    return %arg0 : i32
  }
}

module attributes {stable_mosaic.version = 14 : i64} {
  func.func @_tc2_body(%arg0: memref<16384x12xf32, #tpu.memory_space<vmem>>, %arg1: memref<16384xf32, #tpu.memory_space<vmem>>, %arg2: memref<12xf32, #tpu.memory_space<vmem>>, %arg3: memref<12xf32, #tpu.memory_space<vmem>>, %arg4: memref<12x8xf32, #tpu.memory_space<vmem>>, %arg5: memref<8xf32, #tpu.memory_space<vmem>>, %arg6: memref<8xf32, #tpu.memory_space<vmem>>, %arg7: memref<8xf32, #tpu.memory_space<vmem>>, %arg8: memref<1xf32, #tpu.memory_space<vmem>>, %arg9: memref<16384xf32, #tpu.memory_space<vmem>>) attributes {dimension_semantics = [], scalar_prefetch = 0 : i64, scratch_operands = 0 : i64, tpu.core_type = #tpu.core_type<tc>} {
    %get3A = arith.constant 0 : index
    %get3A_0 = arith.constant 0 : index
    %get3A_1 = vector.load %arg0[%get3A, %get3A_0] : memref<16384x12xf32, #tpu.memory_space<vmem>>, vector<16384x12xf32>
    %reduce_sum3A = arith.constant dense<0.000000e+00> : vector<12xf32>
    %reduce_sum3A_2 = vector.multi_reduction <add>, %get3A_1, %reduce_sum3A [0] : vector<16384x12xf32> to vector<12xf32>
    %div3A = arith.constant 1.638400e+04 : f32
    %div3A_3 = vector.broadcast %div3A : f32 to vector<12xf32>
    %div3A_4 = arith.divf %reduce_sum3A_2, %div3A_3 : vector<12xf32>
    %broadcast_in_dim3A = vector.shape_cast %div3A_4 : vector<12xf32> to vector<1x12xf32>
    %sub3A = vector.broadcast %broadcast_in_dim3A : vector<1x12xf32> to vector<16384x12xf32>
    %sub3A_5 = arith.subf %get3A_1, %sub3A : vector<16384x12xf32>
    %integer_pow3A = arith.mulf %sub3A_5, %sub3A_5 : vector<16384x12xf32>
    %reduce_sum3A_6 = arith.constant dense<0.000000e+00> : vector<12xf32>
    %reduce_sum3A_7 = vector.multi_reduction <add>, %integer_pow3A, %reduce_sum3A_6 [0] : vector<16384x12xf32> to vector<12xf32>
    %div3A_8 = arith.constant 1.638400e+04 : f32
    %div3A_9 = vector.broadcast %div3A_8 : f32 to vector<12xf32>
    %div3A_10 = arith.divf %reduce_sum3A_7, %div3A_9 : vector<12xf32>
    %broadcast_in_dim3A_11 = vector.shape_cast %div3A_4 : vector<12xf32> to vector<1x12xf32>
    %sub3A_12 = vector.broadcast %broadcast_in_dim3A_11 : vector<1x12xf32> to vector<16384x12xf32>
    %sub3A_13 = arith.subf %get3A_1, %sub3A_12 : vector<16384x12xf32>
    %add3A = arith.constant 9.99999974E-6 : f32
    %add3A_14 = vector.broadcast %add3A : f32 to vector<12xf32>
    %add3A_15 = arith.addf %div3A_10, %add3A_14 : vector<12xf32>
    %sqrt3A = math.sqrt %add3A_15 : vector<12xf32>
    %broadcast_in_dim3A_16 = vector.shape_cast %sqrt3A : vector<12xf32> to vector<1x12xf32>
    %div3A_17 = vector.broadcast %broadcast_in_dim3A_16 : vector<1x12xf32> to vector<16384x12xf32>
    %div3A_18 = arith.divf %sub3A_13, %div3A_17 : vector<16384x12xf32>
    %get3A_19 = arith.constant 0 : index
    %get3A_20 = vector.load %arg2[%get3A_19] : memref<12xf32, #tpu.memory_space<vmem>>, vector<12xf32>
    %broadcast_in_dim3A_21 = vector.shape_cast %get3A_20 : vector<12xf32> to vector<1x12xf32>
    %mul3A = vector.broadcast %broadcast_in_dim3A_21 : vector<1x12xf32> to vector<16384x12xf32>
    %mul3A_22 = arith.mulf %div3A_18, %mul3A : vector<16384x12xf32>
    %get3A_23 = arith.constant 0 : index
    %get3A_24 = vector.load %arg3[%get3A_23] : memref<12xf32, #tpu.memory_space<vmem>>, vector<12xf32>
    %broadcast_in_dim3A_25 = vector.shape_cast %get3A_24 : vector<12xf32> to vector<1x12xf32>
    %add3A_26 = vector.broadcast %broadcast_in_dim3A_25 : vector<1x12xf32> to vector<16384x12xf32>
    %add3A_27 = arith.addf %mul3A_22, %add3A_26 : vector<16384x12xf32>
    %max3A = arith.constant 0.000000e+00 : f32
    %max3A_28 = vector.broadcast %max3A : f32 to vector<16384x12xf32>
    %max3A_29 = arith.maximumf %add3A_27, %max3A_28 : vector<16384x12xf32>
    %get3A_30 = arith.constant 0 : index
    %get3A_31 = arith.constant 0 : index
    %get3A_32 = vector.load %arg4[%get3A_30, %get3A_31] : memref<12x8xf32, #tpu.memory_space<vmem>>, vector<12x8xf32>
    %dot_general3A = arith.constant dense<0.000000e+00> : vector<16384x8xf32>
    %dot_general3A_33 = tpu.matmul %max3A_29, %get3A_32, %dot_general3A {dimension_numbers = #tpu.dot_dimension_numbers<[1], [0], [0], [1], [0, 0, 1, 1], [], []>, transpose_lhs_hint = false} : vector<16384x12xf32>, vector<12x8xf32>, vector<16384x8xf32> -> vector<16384x8xf32>
    %get3A_34 = arith.constant 0 : index
    %get3A_35 = vector.load %arg5[%get3A_34] : memref<8xf32, #tpu.memory_space<vmem>>, vector<8xf32>
    %broadcast_in_dim3A_36 = vector.shape_cast %get3A_35 : vector<8xf32> to vector<1x8xf32>
    %add3A_37 = vector.broadcast %broadcast_in_dim3A_36 : vector<1x8xf32> to vector<16384x8xf32>
    %add3A_38 = arith.addf %dot_general3A_33, %add3A_37 : vector<16384x8xf32>
    %reduce_sum3A_39 = arith.constant dense<0.000000e+00> : vector<8xf32>
    %reduce_sum3A_40 = vector.multi_reduction <add>, %add3A_38, %reduce_sum3A_39 [0] : vector<16384x8xf32> to vector<8xf32>
    %div3A_41 = arith.constant 1.638400e+04 : f32
    %div3A_42 = vector.broadcast %div3A_41 : f32 to vector<8xf32>
    %div3A_43 = arith.divf %reduce_sum3A_40, %div3A_42 : vector<8xf32>
    %broadcast_in_dim3A_44 = vector.shape_cast %div3A_43 : vector<8xf32> to vector<1x8xf32>
    %sub3A_45 = vector.broadcast %broadcast_in_dim3A_44 : vector<1x8xf32> to vector<16384x8xf32>
    %sub3A_46 = arith.subf %add3A_38, %sub3A_45 : vector<16384x8xf32>
    %integer_pow3A_47 = arith.mulf %sub3A_46, %sub3A_46 : vector<16384x8xf32>
    %reduce_sum3A_48 = arith.constant dense<0.000000e+00> : vector<8xf32>
    %reduce_sum3A_49 = vector.multi_reduction <add>, %integer_pow3A_47, %reduce_sum3A_48 [0] : vector<16384x8xf32> to vector<8xf32>
    %div3A_50 = arith.constant 1.638400e+04 : f32
    %div3A_51 = vector.broadcast %div3A_50 : f32 to vector<8xf32>
    %div3A_52 = arith.divf %reduce_sum3A_49, %div3A_51 : vector<8xf32>
    %broadcast_in_dim3A_53 = vector.shape_cast %div3A_43 : vector<8xf32> to vector<1x8xf32>
    %sub3A_54 = vector.broadcast %broadcast_in_dim3A_53 : vector<1x8xf32> to vector<16384x8xf32>
    %sub3A_55 = arith.subf %add3A_38, %sub3A_54 : vector<16384x8xf32>
    %add3A_56 = arith.constant 9.99999974E-6 : f32
    %add3A_57 = vector.broadcast %add3A_56 : f32 to vector<8xf32>
    %add3A_58 = arith.addf %div3A_52, %add3A_57 : vector<8xf32>
    %sqrt3A_59 = math.sqrt %add3A_58 : vector<8xf32>
    %broadcast_in_dim3A_60 = vector.shape_cast %sqrt3A_59 : vector<8xf32> to vector<1x8xf32>
    %div3A_61 = vector.broadcast %broadcast_in_dim3A_60 : vector<1x8xf32> to vector<16384x8xf32>
    %div3A_62 = arith.divf %sub3A_55, %div3A_61 : vector<16384x8xf32>
    %get3A_63 = arith.constant 0 : index
    %get3A_64 = vector.load %arg6[%get3A_63] : memref<8xf32, #tpu.memory_space<vmem>>, vector<8xf32>
    %broadcast_in_dim3A_65 = vector.shape_cast %get3A_64 : vector<8xf32> to vector<1x8xf32>
    %mul3A_66 = vector.broadcast %broadcast_in_dim3A_65 : vector<1x8xf32> to vector<16384x8xf32>
    %mul3A_67 = arith.mulf %div3A_62, %mul3A_66 : vector<16384x8xf32>
    %get3A_68 = arith.constant 0 : index
    %get3A_69 = vector.load %arg7[%get3A_68] : memref<8xf32, #tpu.memory_space<vmem>>, vector<8xf32>
    %broadcast_in_dim3A_70 = vector.shape_cast %get3A_69 : vector<8xf32> to vector<1x8xf32>
    %add3A_71 = vector.broadcast %broadcast_in_dim3A_70 : vector<1x8xf32> to vector<16384x8xf32>
    %add3A_72 = arith.addf %mul3A_67, %add3A_71 : vector<16384x8xf32>
    %max3A_73 = arith.constant 0.000000e+00 : f32
    %max3A_74 = vector.broadcast %max3A_73 : f32 to vector<16384x8xf32>
    %max3A_75 = arith.maximumf %add3A_72, %max3A_74 : vector<16384x8xf32>
    %reduce_sum3A_76 = arith.constant dense<0.000000e+00> : vector<16384xf32>
    %reduce_sum3A_77 = vector.multi_reduction <add>, %max3A_75, %reduce_sum3A_76 [1] : vector<16384x8xf32> to vector<16384xf32>
    %get3A_78 = arith.constant 0 : index
    %get3A_79 = vector.load %arg1[%get3A_78] : memref<16384xf32, #tpu.memory_space<vmem>>, vector<16384xf32>
    %add3A_80 = arith.addf %get3A_79, %reduce_sum3A_77 : vector<16384xf32>
    %get3A_81 = arith.constant 0 : index
    %get3A_82 = vector.load %arg8[%get3A_81] : memref<1xf32, #tpu.memory_space<vmem>>, vector<1xf32>
    %add3A_83 = vector.broadcast %get3A_82 : vector<1xf32> to vector<16384xf32>
    %add3A_84 = arith.addf %add3A_80, %add3A_83 : vector<16384xf32>
    %neg3A = arith.constant 0.000000e+00 : f32
    %neg3A_85 = vector.broadcast %neg3A : f32 to vector<16384xf32>
    %neg3A_86 = arith.subf %neg3A_85, %add3A_84 : vector<16384xf32>
    %exp3A = math.exp %neg3A_86 : vector<16384xf32>
    %add3A_87 = arith.constant 1.000000e+00 : f32
    %add3A_88 = vector.broadcast %add3A_87 : f32 to vector<16384xf32>
    %add3A_89 = arith.addf %add3A_88, %exp3A : vector<16384xf32>
    %div3A_90 = arith.constant 1.000000e+00 : f32
    %div3A_91 = vector.broadcast %div3A_90 : f32 to vector<16384xf32>
    %div3A_92 = arith.divf %div3A_91, %add3A_89 : vector<16384xf32>
    %swap3A = arith.constant 0 : index
    %swap3A_93 = vector.load %arg9[%swap3A] : memref<16384xf32, #tpu.memory_space<vmem>>, vector<16384xf32>
    tpu.vector_store %arg9[%swap3A], %div3A_92 {strides = array<i32>} : memref<16384xf32, #tpu.memory_space<vmem>>, vector<16384xf32>,
    return
  }
}

</mosaic_0001>

<sc_bundles>
// kernel: kernel.5.cloned.1.call-start
scs
__scs_entry_jumppad:
0x0: {  	(pc) =	sbr.rel $0x88, $3  }
0x1: {  	(tag) =	ssettag $0x0;
	lr =	simm.s32 $0x1  }
0x2: {  	[smem:$0x3F95] =	sst lr;
	_ =	strace $0xD0000000  }
0x3: {  	_ = 	snop  }
0x4: {  	_ = 	snop  }
0x5: {  	_ = 	snop  }
0x6: {  	_ = 	snop  }
0x7: {  	_ = 	snop  }
__scs_overlays_trampoline_lowered:
0x8: {  	[smem:$0x3FA4] =	sst s0  }
0x9: {  	[smem:$0x3FA5] =	sst s1  }
0xa: {  	[smem:$0x3FA6] =	sst s2  }
0xb: {  	[smem:$0x3FA7] =	sst s3  }
0xc: {  	[smem:$0x3FA8] =	sst s4  }
0xd: {  	[smem:$0x3FA9] =	sst s5  }
0xe: {  	[smem:$0x3FAA] =	sst s6  }
0xf: {  	[smem:$0x3FAB] =	sst s7  }
0x10: {  	[smem:$0x3FAC] =	sst s8  }
0x11: {  	[smem:$0x3FAD] =	sst s9;
	s0 =	simm.s32 @!p0 $0x0  }
0x12: {  	s1 =	sld [smem:$0x3F93];
	s0 =	simm.s32 @p0 $0x1  }
0x13: {  	[smem:$0x3FAE] =	sst s0;
	s0 =	simm.s32 @!p1 $0x0  }
0x14: {  	s2 =	sld [smem:$0x3F92];
	s0 =	simm.s32 @p1 $0x1  }
0x15: {  	[smem:$0x3FAF] =	sst s0;
	s0 =	simm.s32 @!p2 $0x0  }
0x16: {  	s3 =	sld [smem:$0x3FDB];
	s0 =	simm.s32 @p2 $0x1  }
0x17: {  	s4 =	simm.s32 $0x1BF5;
	[smem:$0x3FB1] =	sst s0  }
0x18: {  	s0 =	sld [smem:$0x3F94];
	_ =	swait.ge [sflag:s4], $0x0  }
0x19: {  	s7 =	sld [smem:$0x3F95]  }
0x1a: {  	s8 =	sadd.s32 $0xFFFFE003, lr  }
0x1b: {  	s9 =	sadd.s32 $0xFFFFFEF7, lr;
	s5 =	simm.s32 $0xFFFFFFFF;
	p2 =	slt.u32 s8, $0xFFFFF086  }
0x1c: {  	p1 =	slt.u32 s9, $0xF7A;
	s5 =	simm.s32 @!p2 $0x0  }
0x1d: {  	s5 =	simm.s32 @p1 $0x1;
	p0 =	seq.s32 s7, s2  }
0x1e: {  	s7 =	smul.u32 @!p0 $0xF7A, s2;
	p2 =	seq.s32 @!p0 s5, $0x0  }
0x1f: {  	s9 =	smul.u32 $0xF7A, s1;
	s8 =	simm.s32 @!p0 $0x1BF5;
	p2 =	por !p2, p0  }
0x20: {  	[sflag:s8] =	ssyncset.s32 @!p0 $0xFFFFF086;
	s6 =	sadd.s32 @!p0 s3, s7;
	s7 =	simm.s32 @!p0 $0x108  }
0x21: {  	s3 =	sadd.s32 s3, s9;
	s6 =	sadd.s32 @!p0 $0x88, s6;
	s7 =	simm.s32 @p2 $0x1082  }
0x22: {  	[simem:s7], [sflag:s8] =	dma.local @!p0 [hbm:s6], $0xF7A  }
0x23: {  	s9 =	sor.u32 $0xD0000000, s2;
	s6 =	simm.s32 $0x108;
	_ =	swait.ge @!p0 [sflag:s8], $0x0  }
0x24: {  	s3 =	sadd.s32 $0x88, s3;
	s6 =	simm.s32 @!p1 $0x1082;
	[sflag:s4] =	ssyncset.s32 $0xFFFFF086  }
0x25: {  	[simem:s6], [sflag:s4] =	dma.local [hbm:s3], $0xF7A  }
0x26: {  	[smem:$0x3F95] =	sst s1;
	(tag) =	ssettag s2;
	_ =	strace s9  }
0x27: {  	s1 =	sld [smem:$0x3FA5]  }
0x28: {  	s2 =	sld [smem:$0x3FA6]  }
0x29: {  	s4 =	sld [smem:$0x3FA8]  }
0x2a: {  	p0 =	seq.s32 s5, $0x0;
	s5 =	sld [smem:$0x3FA9]  }
0x2b: {  	s6 =	sld [smem:$0x3FAA]  }
0x2c: {  	s7 =	sld [smem:$0x3FAB]  }
0x2d: {  	s3 =	simm.s32 $0x108;
	s8 =	sld [smem:$0x3FAC]  }
0x2e: {  	s3 =	simm.s32 @!p0 $0x1082;
	s9 =	sld [smem:$0x3FAD]  }
0x2f: {  	lr =	sadd.s32 s0, s3;
	s0 =	sld [smem:$0x3FA4]  }
0x30: {  	s3 =	sld [smem:$0x3FA7]  }
0x31: {  	[smem:$0x3FB0] =	sst s10  }
0x32: {  	s10 =	sld [smem:$0x3FAE];
	_ =	sdelay $0x3  }
0x33: {  	p0 =	seq.s32 s10, $0x1;
	s10 =	sld [smem:$0x3FB0];
	_ =	sdelay $0x3  }
0x34: {  	[smem:$0x3FB0] =	sst s10  }
0x35: {  	s10 =	sld [smem:$0x3FAF];
	_ =	sdelay $0x3  }
0x36: {  	p1 =	seq.s32 s10, $0x1;
	s10 =	sld [smem:$0x3FB0];
	_ =	sdelay $0x3  }
0x37: {  	[smem:$0x3FB0] =	sst s10  }
0x38: {  	s10 =	sld [smem:$0x3FB1]  }
0x39: {  	_ = 	snop;
	(pc) =	sbr.ind lr, $3  }
0x3a: {  	_ = 	snop  }
0x3b: {  	_ = 	snop  }
0x3c: {  	p2 =	seq.s32 s10, $0x1;
	s10 =	sld [smem:$0x3FB0]  }
0x3d: {  	_ =	shalt  }
0x3e: {  	_ =	shalt  }
0x3f: {  	_ =	shalt  }
0x40: {  	_ =	shalt  }
0x41: {  	_ =	shalt  }
0x42: {  	_ =	shalt  }
0x43: {  	_ =	shalt  }
0x44: {  	_ =	shalt  }
0x45: {  	_ =	shalt  }
0x46: {  	_ =	shalt  }
0x47: {  	_ =	shalt  }
0x48: {  	_ =	shalt  }
0x49: {  	_ =	shalt  }
0x4a: {  	_ =	shalt  }
0x4b: {  	_ =	shalt  }
0x4c: {  	_ =	shalt  }
0x4d: {  	_ =	shalt  }
0x4e: {  	_ =	shalt  }
0x4f: {  	_ =	shalt  }
0x50: {  	_ =	shalt  }
0x51: {  	_ =	shalt  }
0x52: {  	_ =	shalt  }
0x53: {  	_ =	shalt  }
0x54: {  	_ =	shalt  }
0x55: {  	_ =	shalt  }
0x56: {  	_ =	shalt  }
0x57: {  	_ =	shalt  }
0x58: {  	_ =	shalt  }
0x59: {  	_ =	shalt  }
0x5a: {  	_ =	shalt  }
0x5b: {  	_ =	shalt  }
0x5c: {  	_ =	shalt  }
0x5d: {  	_ =	shalt  }
0x5e: {  	_ =	shalt  }
0x5f: {  	_ =	shalt  }
0x60: {  	_ =	shalt  }
0x61: {  	_ =	shalt  }
0x62: {  	_ =	shalt  }
0x63: {  	_ =	shalt  }
0x64: {  	_ =	shalt  }
0x65: {  	_ =	shalt  }
0x66: {  	_ =	shalt  }
0x67: {  	_ =	shalt  }
0x68: {  	_ =	shalt  }
0x69: {  	_ =	shalt  }
0x6a: {  	_ =	shalt  }
0x6b: {  	_ =	shalt  }
0x6c: {  	_ =	shalt  }
0x6d: {  	_ =	shalt  }
0x6e: {  	_ =	shalt  }
0x6f: {  	_ =	shalt  }
0x70: {  	_ =	shalt  }
0x71: {  	_ =	shalt  }
0x72: {  	_ =	shalt  }
0x73: {  	_ =	shalt  }
0x74: {  	_ =	shalt  }
0x75: {  	_ =	shalt  }
0x76: {  	_ =	shalt  }
0x77: {  	_ =	shalt  }
0x78: {  	_ =	shalt  }
0x79: {  	_ =	shalt  }
0x7a: {  	_ =	shalt  }
0x7b: {  	_ =	shalt  }
0x7c: {  	_ =	shalt  }
0x7d: {  	_ =	shalt  }
0x7e: {  	_ =	shalt  }
0x7f: {  	_ =	shalt  }
0x80: {  	_ =	shalt  }
0x81: {  	_ =	shalt  }
0x82: {  	_ =	shalt  }
0x83: {  	_ =	shalt  }
0x84: {  	_ =	shalt  }
0x85: {  	_ =	shalt  }
0x86: {  	_ =	shalt  }
0x87: {  	_ =	shalt  }
.Lfunc_end0:
.L_simem_size_0:
called_computation_lowered:
.L_overlay_start_0:
0x88: {  	s2 =	sld [smem:$0x3FD9]  }
0x89: {  	s3 =	sld [smem:$0x3FFE];
	_ =	sdelay $0x1  }
0x8a: {  	s1 =	srdreg.scid  }
0x8b: {  	s0 =	sand.u32 $0x1, s1  }
0x8c: {  	s16 =	sshll.u32 s0, $0xA;
	s2 =	sadd.s32 s3, s2  }
0x8d: {  	s2 =	sadd.s32 s2, s16  }
0x8e: {  	[smem:$0x3FBC] =	sst s2  }
0x8f: {  	_ = 	snop  }
0x90: {  	(tm) =	ssettm $0x1  }
0x91: {  	s17 =	sld [smem:$0x3FFB];
	_ =	sdelay $0x3  }
0x92: {  	_ =	strace s17  }
0x93: {  	s2 =	sld [smem:$0x3FFC];
	_ =	sdelay $0x3  }
0x94: {  	_ =	strace s2  }
0x95: {  	s2 =	sld [smem:$0x3FFD];
	_ =	sdelay $0x3  }
0x96: {  	_ =	strace s2  }
0x97: {  	_ =	strace $0x8FFFFFFF  }
0x98: {  	s18 =	sld [smem:$0x3FDB];
	_ =	sdelay $0x1  }
0x99: {  	s19 =	simm.s32 $_scs_section_size  }
0x9a: {  	s4 =	simm.s32 $_size__tile_overlayer_lowered;
	s5 =	simm.s32 $_tile_overlayer_lowered  }
0x9b: {  	s22 =	simm.s32 $0x1BFF;
	s21 =	sshll.u32 s5, $0x1;
	s2 =	sadd.s32 s19, s18  }
0x9c: {  	s6 =	simm.s32 $0x0;
	s20 =	sshll.u32 s4, $0x1;
	s4 =	sadd.s32 s21, s2  }
0x9d: {  	[timem:s6], [sflag:s22] =	dma.local [hbm:s4], s20  }
0x9e: {  	_ =	swait.ge [sflag:s22], s20  }
0x9f: {  	s3 =	ssub.s32 $0x0, s20;
	[sflag:s22] =	ssyncset.done $0x0  }
0xa0: {  	[sflag:s22] =	ssyncadd.s32 s3;
	_ =	sdelay $0x1  }
0xa1: {  	s23 =	simm.s32 $0x1B8B  }
0xa2: {  	_ =	swait.ge [sflag:s23], $0x1  }
0xa3: {  	[sflag:s23] =	ssyncset.done $0x0  }
0xa4: {  	s25 =	simm.s32 $0x1B8E;
	s24 =	sld [smem:$0x3FFE];
	[sflag:s23] =	ssyncadd.s32 $0xFFFFFFFF  }
0xa5: {  	s26 =	simm.s32 $execute0_lowered;
	[smem:$0x3FD2] =	sst s25  }
0xa6: {  	s4 =	sshll.u32 s26, $0x1;
	_ =	strace $0x80000046;
	[dreg:$0x1] =	wrdreg $0xFFFFFFFF  }
0xa7: {  	s28 =	simm.s32 $_size_execute0_lowered;
	s2 =	sadd.s32 s2, s4;
	[dreg:$0x0] =	wrdreg $0x0  }
0xa8: {  	s4 =	sshll.u32 s28, $0x1;
	[dreg:$0x2] =	wrdreg s2  }
0xa9: {  	[dreg:$0x3] =	wrdreg s4  }
0xaa: {  	[dreg:$0x4] =	wrdreg $0xC0  }
0xab: {  	_ =	task [dreg:s6], $0x5FFFF  }
0xac: {  	[dreg:$0x1] =	wrdreg $0xFFFFFFFF  }
0xad: {  	[dreg:$0x0] =	wrdreg $0x60  }
0xae: {  	[dreg:$0x2] =	wrdreg s24  }
0xaf: {  	[dreg:$0x3] =	wrdreg $0x9  }
0xb0: {  	_ =	task.clear_ibuf [dreg:s6], $0x4FFFF;
	_ =	strace $0x90000046  }
0xb1: {  	s29 =	simm.s32 $0x9;
	_ =	strace $0x80000048  }
0xb2: {  	_ =	swait.ge [sflag:s29], $0x1  }
0xb3: {  	[sflag:s29] =	ssyncadd.s32 $0xFFFFFFFF  }
0xb4: {  	_ =	strace $0x90000048  }
0xb5: {  	_ =	sfence  }
0xb6: {  	s30 =	sld [smem:$0x0];
	_ =	sdelay $0x2  }
0xb7: {  	s31 =	sshll.u32 s1, $0xD;
	s1 =	sshrl.u32 s1, $0x2  }
0xb8: {  	s3 =	sand.u32 $0x4000, s31;
	s1 =	sadd.s32 s1, s30  }
0xb9: {  	s0 =	sor.u32 s3, s0;
	s1 =	sshll.u32 s1, $0x11  }
0xba: {  	s0 =	sor.u32 s1, s0  }
0xbb: {  	s0 =	sadd.s32 $0x8F2B, s0  }
0xbc: {  	[sflag:s0] =	ssyncadd.remote.s32 $0x1  }
0xbd: {  	_ =	sfence.sel $0xFFFF  }
0xbe: {  	[dreg:$0x0] =	wrdreg $0xFFFFFFFF;
	(pc) =	sbr.abs _section_cstart, $3  }
0xbf: {  	[dreg:$0x1] =	wrdreg $0xFFFFFFFF  }
0xc0: {  	_ =	task.clear_ibuf [dreg:s6], $0x2FFFF;
	_ =	strace $0x9FFFFFFF  }
0xc1: {  	(tm) =	ssettm $0x7FFFFFFF  }
tec
execute0_lowered:
.L_overlay_start_1:
0x0: {  	(tag) =	ssettag $0x1  }
0x1: {  	s0 =	srdreg.scid  }
0x2: {  	s4 =	stileid.u32;
	s5 =	rddreg [dreg:$0x0]  }
0x3: {  	s2 =	simm.s32 $0x0;
	s25 =	simm.s32 $0xC00;
	s26 =	simm.s32 $0x4480  }
0x4: {  	s30 =	simm.s32 $0x1400;
	s9 =	simm.s32 $0x400;
	s31 =	simm.s32 $0x4500  }
0x5: {  	s10 =	simm.s32 $0x4400;
	s11 =	simm.s32 $0x100;
	s12 =	simm.s32 $0x180  }
0x6: {  	s13 =	simm.s32 $0x1C00;
	s14 =	simm.s32 $0x4580;
	s15 =	simm.s32 $0x200  }
0x7: {  	s16 =	simm.s32 $0x2400;
	s17 =	simm.s32 $0x4600;
	s18 =	simm.s32 $0x280  }
0x8: {  	s19 =	simm.s32 $0x2C00;
	s20 =	simm.s32 $0x4680;
	s21 =	simm.s32 $0x300  }
0x9: {  	s22 =	simm.s32 $0x3400;
	s23 =	simm.s32 $0x4700;
	s28 =	simm.s32 $0x1  }
0xa: {  	s29 =	simm.s32 $0x2;
	s0 =	sand.u32 $0x1, s0;
	[smem:$0x7FF] =	sst s2  }
0xb: {  	s1 =	smul.u32 $0x6800, s4;
	_ =	strace $0x80000047;
	[dreg:$0x4] =	wrdreg s25  }
0xc: {  	s7 =	smul.u32 $0xD000, s4;
	s4 =	sadd.s32 $0xEE00, s5;
	[dreg:$0x5] =	wrdreg s26  }
0xd: {  	s3 =	smul.u32 $0x3400, s0;
	s6 =	ssub.s32 $0x2, s0;
	[dreg:$0x6] =	wrdreg s30  }
0xe: {  	s0 =	smul.u32 $0x6800, s0;
	[dreg:$0x7] =	wrdreg s31;
	s25 =	simm.s32 $0x3C00  }
0xf: {  	s26 =	simm.s32 $0x4780;
	s8 =	sshrl.u32 s6, $0x1;
	s1 =	sadd.s32 s3, s1  }
0x10: {  	s3 =	sadd.s32 $0xFE0600, s5;
	s6 =	ssub.s32 s6, s8;
	s1 =	sshrl.u32 s1, $0x3  }
0x11: {  	s8 =	simm.s32 $0x80;
	s6 =	smax.u32 s6, $0x1;
	s1 =	sadd.s32 s1, s5  }
0x12: {  	s5 =	sadd.s32 s7, s5;
	[dreg:$0x8] =	wrdreg s6;
	s24 =	sadd.s32 $0xFEA00, s1  }
0x13: {  	s0 =	sadd.s32 s0, s5;
	s1 =	sadd.s32 $0x1E00, s1;
	[dreg:$0x2] =	wrdreg s24  }
0x14: {  	s7 =	simm.s32 $0x3;
	s0 =	sadd.s32 $0x2EA00, s0;
	[dreg:$0x3] =	wrdreg s1  }
0x15: {  	s24 =	simm.s32 $0x380;
	s1 =	simm.s32 $0x0;
	[dreg:$0x9] =	wrdreg s0  }
.LBB2_1:
0x16: {  	s0 =	rddreg [dreg:$0x3]  }
0x17: {  	[dreg:$0xa] =	wrdreg s1;
	s0 =	sadd.s32 $0x0, s0  }
0x18: {  	[tilespmem:s2], [sflag:$0x3] =	stream.linear.gather [hbm4b:s0+s2], $0x400, $0x38;
	[tilespmem:$0x4800] =	vst v63  }
0x19: {  	_ =	swait.ge [sflag:s7], $0x400  }
0x1a: {  	[sflag:s7] =	ssyncset.done $0x0  }
0x1b: {  	[sflag:s7] =	ssyncadd.s32 $0xFFFFFC00  }
0x1c: {  	[tilespmem:s9], [sflag:$0x1] =	stream.indirect.gather [hbm4b:s3+s8], $0x10, s2, s8, $0xb8;
	[tilespmem:$0x4800] =	vst v63  }
0x1d: {  	_ = 	snop  }
0x1e: {  	[tilespmem:s10], [sflag:$0x2] =	stream.indirect.gather [hbm4b:s4+s8], $0x1, s2, s8, $0xb8;
	[tilespmem:$0x4800] =	vst v63  }
0x1f: {  	s6 =	rddreg [dreg:$0x4]  }
0x20: {  	[tilespmem:s6], [sflag:$0x1] =	stream.indirect.gather [hbm4b:s3+s8], $0x10, s8, s8, $0xb8;
	[tilespmem:$0x4800] =	vst v63  }
0x21: {  	s30 =	rddreg [dreg:$0x5]  }
0x22: {  	[tilespmem:s30], [sflag:$0x2] =	stream.indirect.gather [hbm4b:s4+s8], $0x1, s8, s8, $0xb8;
	[tilespmem:$0x4800] =	vst v63  }
0x23: {  	s5 =	rddreg [dreg:$0x6]  }
0x24: {  	[tilespmem:s5], [sflag:$0x1] =	stream.indirect.gather [hbm4b:s3+s8], $0x10, s11, s8, $0xb8;
	[tilespmem:$0x4800] =	vst v63  }
0x25: {  	s6 =	rddreg [dreg:$0x7]  }
0x26: {  	[tilespmem:s6], [sflag:$0x2] =	stream.indirect.gather [hbm4b:s4+s8], $0x1, s11, s8, $0xb8;
	[tilespmem:$0x4800] =	vst v63  }
0x27: {  	_ = 	snop  }
0x28: {  	[tilespmem:s13], [sflag:$0x1] =	stream.indirect.gather [hbm4b:s3+s8], $0x10, s12, s8, $0xb8;
	[tilespmem:$0x4800] =	vst v63  }
0x29: {  	_ = 	snop  }
0x2a: {  	[tilespmem:s14], [sflag:$0x2] =	stream.indirect.gather [hbm4b:s4+s8], $0x1, s12, s8, $0xb8;
	[tilespmem:$0x4800] =	vst v63  }
0x2b: {  	_ = 	snop  }
0x2c: {  	[tilespmem:s16], [sflag:$0x1] =	stream.indirect.gather [hbm4b:s3+s8], $0x10, s15, s8, $0xb8;
	[tilespmem:$0x4800] =	vst v63  }
0x2d: {  	_ = 	snop  }
0x2e: {  	[tilespmem:s17], [sflag:$0x2] =	stream.indirect.gather [hbm4b:s4+s8], $0x1, s15, s8, $0xb8;
	[tilespmem:$0x4800] =	vst v63  }
0x2f: {  	_ = 	snop  }
0x30: {  	[tilespmem:s19], [sflag:$0x1] =	stream.indirect.gather [hbm4b:s3+s8], $0x10, s18, s8, $0xb8;
	[tilespmem:$0x4800] =	vst v63  }
0x31: {  	_ = 	snop  }
0x32: {  	[tilespmem:s20], [sflag:$0x2] =	stream.indirect.gather [hbm4b:s4+s8], $0x1, s18, s8, $0xb8;
	[tilespmem:$0x4800] =	vst v63  }
0x33: {  	_ = 	snop  }
0x34: {  	[tilespmem:s22], [sflag:$0x1] =	stream.indirect.gather [hbm4b:s3+s8], $0x10, s21, s8, $0xb8;
	[tilespmem:$0x4800] =	vst v63  }
0x35: {  	_ = 	snop  }
0x36: {  	[tilespmem:s23], [sflag:$0x2] =	stream.indirect.gather [hbm4b:s4+s8], $0x1, s21, s8, $0xb8;
	[tilespmem:$0x4800] =	vst v63  }
0x37: {  	_ = 	snop  }
0x38: {  	[tilespmem:s25], [sflag:$0x1] =	stream.indirect.gather [hbm4b:s3+s8], $0x10, s24, s8, $0xb8;
	[tilespmem:$0x4800] =	vst v63  }
0x39: {  	_ = 	snop  }
0x3a: {  	[tilespmem:s26], [sflag:$0x2] =	stream.indirect.gather [hbm4b:s4+s8], $0x1, s24, s8, $0xb8;
	[tilespmem:$0x4800] =	vst v63  }
0x3b: {  	_ =	swait.ge [sflag:s28], $0x800  }
0x3c: {  	[sflag:s28] =	ssyncset.done $0x0  }
0x3d: {  	[sflag:s28] =	ssyncadd.s32 $0xFFFFF800  }
0x3e: {  	_ =	swait.ge [sflag:s29], $0x80  }
0x3f: {  	[sflag:s29] =	ssyncset.done $0x0  }
0x40: {  	[sflag:s29] =	ssyncadd.s32 $0xFFFFFF80  }
0x41: {  	_ =	swait.ge [sflag:s28], $0x800  }
0x42: {  	[sflag:s28] =	ssyncset.done $0x0  }
0x43: {  	[sflag:s28] =	ssyncadd.s32 $0xFFFFF800  }
0x44: {  	_ =	swait.ge [sflag:s29], $0x80  }
0x45: {  	[sflag:s29] =	ssyncset.done $0x0  }
0x46: {  	[sflag:s29] =	ssyncadd.s32 $0xFFFFFF80  }
0x47: {  	_ =	swait.ge [sflag:s28], $0x800  }
0x48: {  	[sflag:s28] =	ssyncset.done $0x0  }
0x49: {  	[sflag:s28] =	ssyncadd.s32 $0xFFFFF800  }
0x4a: {  	_ =	swait.ge [sflag:s29], $0x80  }
0x4b: {  	[sflag:s29] =	ssyncset.done $0x0  }
0x4c: {  	[sflag:s29] =	ssyncadd.s32 $0xFFFFFF80  }
0x4d: {  	_ =	swait.ge [sflag:s28], $0x800  }
0x4e: {  	[sflag:s28] =	ssyncset.done $0x0  }
0x4f: {  	[sflag:s28] =	ssyncadd.s32 $0xFFFFF800  }
0x50: {  	_ =	swait.ge [sflag:s29], $0x80  }
0x51: {  	[sflag:s29] =	ssyncset.done $0x0  }
0x52: {  	[sflag:s29] =	ssyncadd.s32 $0xFFFFFF80  }
0x53: {  	_ =	swait.ge [sflag:s28], $0x800  }
0x54: {  	[sflag:s28] =	ssyncset.done $0x0  }
0x55: {  	[sflag:s28] =	ssyncadd.s32 $0xFFFFF800  }
0x56: {  	_ =	swait.ge [sflag:s29], $0x80  }
0x57: {  	[sflag:s29] =	ssyncset.done $0x0  }
0x58: {  	[sflag:s29] =	ssyncadd.s32 $0xFFFFFF80  }
0x59: {  	_ =	swait.ge [sflag:s28], $0x800  }
0x5a: {  	[sflag:s28] =	ssyncset.done $0x0  }
0x5b: {  	[sflag:s28] =	ssyncadd.s32 $0xFFFFF800  }
0x5c: {  	_ =	swait.ge [sflag:s29], $0x80  }
0x5d: {  	[sflag:s29] =	ssyncset.done $0x0  }
0x5e: {  	[sflag:s29] =	ssyncadd.s32 $0xFFFFFF80  }
0x5f: {  	_ =	swait.ge [sflag:s28], $0x800  }
0x60: {  	[sflag:s28] =	ssyncset.done $0x0  }
0x61: {  	[sflag:s28] =	ssyncadd.s32 $0xFFFFF800  }
0x62: {  	_ =	swait.ge [sflag:s29], $0x80  }
0x63: {  	[sflag:s29] =	ssyncset.done $0x0  }
0x64: {  	[sflag:s29] =	ssyncadd.s32 $0xFFFFFF80  }
0x65: {  	_ =	swait.ge [sflag:s28], $0x800  }
0x66: {  	[sflag:s28] =	ssyncset.done $0x0  }
0x67: {  	[sflag:s28] =	ssyncadd.s32 $0xFFFFF800  }
0x68: {  	_ =	swait.ge [sflag:s29], $0x80  }
0x69: {  	[sflag:s29] =	ssyncset.done $0x0  }
0x6a: {  	s6 =	rddreg [dreg:$0x9];
	[sflag:s29] =	ssyncadd.s32 $0xFFFFFF80  }
0x6b: {  	[hbm4b:s6+s2] =	stream.linear.scatter [tilespmem:s9], [sflag:$0x3], $0x4000, $0x38;
	[tilespmem:$0x4800] =	vst v63  }
0x6c: {  	_ =	swait.ge [sflag:s7], $0x4000  }
0x6d: {  	s30 =	rddreg [dreg:$0x2];
	[sflag:s7] =	ssyncset.done $0x0  }
0x6e: {  	[sflag:s7] =	ssyncadd.s32 $0xFFFFC000;
	s0 =	sadd.s32 $0x0, s30  }
0x6f: {  	[hbm4b:s0+s2] =	stream.linear.scatter [tilespmem:s10], [sflag:$0x3], $0x400, $0x38;
	[tilespmem:$0x4800] =	vst v63  }
0x70: {  	s31 =	simm.s32 $0x80;
	_ =	swait.ge [sflag:s7], $0x400  }
0x71: {  	s0 =	simm.s32 $0x100;
	s1 =	rddreg [dreg:$0x3];
	[sflag:s7] =	ssyncset.done $0x0  }
.LBB2_2:
0x72: {  	[sflag:s7] =	ssyncadd.s32 $0xFFFFFC00;
	s1 =	sadd.s32 s31, s1  }
0x73: {  	[tilespmem:s2], [sflag:$0x3] =	stream.linear.gather [hbm4b:s1+s2], $0x400, $0x38;
	[tilespmem:$0x4800] =	vst v63  }
0x74: {  	_ =	swait.ge [sflag:s7], $0x400  }
0x75: {  	[sflag:s7] =	ssyncset.done $0x0  }
0x76: {  	[sflag:s7] =	ssyncadd.s32 $0xFFFFFC00  }
0x77: {  	[tilespmem:s9], [sflag:$0x1] =	stream.indirect.gather [hbm4b:s3+s8], $0x10, s2, s8, $0xb8;
	[tilespmem:$0x4800] =	vst v63  }
0x78: {  	_ = 	snop  }
0x79: {  	[tilespmem:s10], [sflag:$0x2] =	stream.indirect.gather [hbm4b:s4+s8], $0x1, s2, s8, $0xb8;
	[tilespmem:$0x4800] =	vst v63  }
0x7a: {  	s1 =	rddreg [dreg:$0x4]  }
0x7b: {  	[tilespmem:s1], [sflag:$0x1] =	stream.indirect.gather [hbm4b:s3+s8], $0x10, s8, s8, $0xb8;
	[tilespmem:$0x4800] =	vst v63  }
0x7c: {  	s30 =	rddreg [dreg:$0x5]  }
0x7d: {  	[tilespmem:s30], [sflag:$0x2] =	stream.indirect.gather [hbm4b:s4+s8], $0x1, s8, s8, $0xb8;
	[tilespmem:$0x4800] =	vst v63  }
0x7e: {  	s1 =	rddreg [dreg:$0x6]  }
0x7f: {  	[tilespmem:s1], [sflag:$0x1] =	stream.indirect.gather [hbm4b:s3+s8], $0x10, s11, s8, $0xb8;
	[tilespmem:$0x4800] =	vst v63  }
0x80: {  	s30 =	rddreg [dreg:$0x7]  }
0x81: {  	[tilespmem:s30], [sflag:$0x2] =	stream.indirect.gather [hbm4b:s4+s8], $0x1, s11, s8, $0xb8;
	[tilespmem:$0x4800] =	vst v63  }
0x82: {  	_ = 	snop  }
0x83: {  	[tilespmem:s13], [sflag:$0x1] =	stream.indirect.gather [hbm4b:s3+s8], $0x10, s12, s8, $0xb8;
	[tilespmem:$0x4800] =	vst v63  }
0x84: {  	_ = 	snop  }
0x85: {  	[tilespmem:s14], [sflag:$0x2] =	stream.indirect.gather [hbm4b:s4+s8], $0x1, s12, s8, $0xb8;
	[tilespmem:$0x4800] =	vst v63  }
0x86: {  	_ = 	snop  }
0x87: {  	[tilespmem:s16], [sflag:$0x1] =	stream.indirect.gather [hbm4b:s3+s8], $0x10, s15, s8, $0xb8;
	[tilespmem:$0x4800] =	vst v63  }
0x88: {  	_ = 	snop  }
0x89: {  	[tilespmem:s17], [sflag:$0x2] =	stream.indirect.gather [hbm4b:s4+s8], $0x1, s15, s8, $0xb8;
	[tilespmem:$0x4800] =	vst v63  }
0x8a: {  	_ = 	snop  }
0x8b: {  	[tilespmem:s19], [sflag:$0x1] =	stream.indirect.gather [hbm4b:s3+s8], $0x10, s18, s8, $0xb8;
	[tilespmem:$0x4800] =	vst v63  }
0x8c: {  	_ = 	snop  }
0x8d: {  	[tilespmem:s20], [sflag:$0x2] =	stream.indirect.gather [hbm4b:s4+s8], $0x1, s18, s8, $0xb8;
	[tilespmem:$0x4800] =	vst v63  }
0x8e: {  	_ = 	snop  }
0x8f: {  	[tilespmem:s22], [sflag:$0x1] =	stream.indirect.gather [hbm4b:s3+s8], $0x10, s21, s8, $0xb8;
	[tilespmem:$0x4800] =	vst v63  }
0x90: {  	_ = 	snop  }
0x91: {  	[tilespmem:s23], [sflag:$0x2] =	stream.indirect.gather [hbm4b:s4+s8], $0x1, s21, s8, $0xb8;
	[tilespmem:$0x4800] =	vst v63  }
0x92: {  	_ = 	snop  }
0x93: {  	[tilespmem:s25], [sflag:$0x1] =	stream.indirect.gather [hbm4b:s3+s8], $0x10, s24, s8, $0xb8;
	[tilespmem:$0x4800] =	vst v63  }
0x94: {  	_ = 	snop  }
0x95: {  	[tilespmem:s26], [sflag:$0x2] =	stream.indirect.gather [hbm4b:s4+s8], $0x1, s24, s8, $0xb8;
	[tilespmem:$0x4800] =	vst v63  }
0x96: {  	_ =	swait.ge [sflag:s28], $0x800  }
0x97: {  	[sflag:s28] =	ssyncset.done $0x0  }
0x98: {  	[sflag:s28] =	ssyncadd.s32 $0xFFFFF800  }
0x99: {  	_ =	swait.ge [sflag:s29], $0x80  }
0x9a: {  	[sflag:s29] =	ssyncset.done $0x0  }
0x9b: {  	[sflag:s29] =	ssyncadd.s32 $0xFFFFFF80  }
0x9c: {  	_ =	swait.ge [sflag:s28], $0x800  }
0x9d: {  	[sflag:s28] =	ssyncset.done $0x0  }
0x9e: {  	[sflag:s28] =	ssyncadd.s32 $0xFFFFF800  }
0x9f: {  	_ =	swait.ge [sflag:s29], $0x80  }
0xa0: {  	[sflag:s29] =	ssyncset.done $0x0  }
0xa1: {  	[sflag:s29] =	ssyncadd.s32 $0xFFFFFF80  }
0xa2: {  	_ =	swait.ge [sflag:s28], $0x800  }
0xa3: {  	[sflag:s28] =	ssyncset.done $0x0  }
0xa4: {  	[sflag:s28] =	ssyncadd.s32 $0xFFFFF800  }
0xa5: {  	_ =	swait.ge [sflag:s29], $0x80  }
0xa6: {  	[sflag:s29] =	ssyncset.done $0x0  }
0xa7: {  	[sflag:s29] =	ssyncadd.s32 $0xFFFFFF80  }
0xa8: {  	_ =	swait.ge [sflag:s28], $0x800  }
0xa9: {  	[sflag:s28] =	ssyncset.done $0x0  }
0xaa: {  	[sflag:s28] =	ssyncadd.s32 $0xFFFFF800  }
0xab: {  	_ =	swait.ge [sflag:s29], $0x80  }
0xac: {  	[sflag:s29] =	ssyncset.done $0x0  }
0xad: {  	[sflag:s29] =	ssyncadd.s32 $0xFFFFFF80  }
0xae: {  	_ =	swait.ge [sflag:s28], $0x800  }
0xaf: {  	[sflag:s28] =	ssyncset.done $0x0  }
0xb0: {  	[sflag:s28] =	ssyncadd.s32 $0xFFFFF800  }
0xb1: {  	_ =	swait.ge [sflag:s29], $0x80  }
0xb2: {  	[sflag:s29] =	ssyncset.done $0x0  }
0xb3: {  	[sflag:s29] =	ssyncadd.s32 $0xFFFFFF80  }
0xb4: {  	_ =	swait.ge [sflag:s28], $0x800  }
0xb5: {  	[sflag:s28] =	ssyncset.done $0x0  }
0xb6: {  	[sflag:s28] =	ssyncadd.s32 $0xFFFFF800  }
0xb7: {  	_ =	swait.ge [sflag:s29], $0x80  }
0xb8: {  	[sflag:s29] =	ssyncset.done $0x0  }
0xb9: {  	[sflag:s29] =	ssyncadd.s32 $0xFFFFFF80  }
0xba: {  	_ =	swait.ge [sflag:s28], $0x800  }
0xbb: {  	[sflag:s28] =	ssyncset.done $0x0  }
0xbc: {  	[sflag:s28] =	ssyncadd.s32 $0xFFFFF800  }
0xbd: {  	_ =	swait.ge [sflag:s29], $0x80  }
0xbe: {  	[sflag:s29] =	ssyncset.done $0x0  }
0xbf: {  	[sflag:s29] =	ssyncadd.s32 $0xFFFFFF80  }
0xc0: {  	_ =	swait.ge [sflag:s28], $0x800  }
0xc1: {  	[sflag:s28] =	ssyncset.done $0x0  }
0xc2: {  	[sflag:s28] =	ssyncadd.s32 $0xFFFFF800  }
0xc3: {  	_ =	swait.ge [sflag:s29], $0x80  }
0xc4: {  	[sflag:s29] =	ssyncset.done $0x0  }
0xc5: {  	s6 =	sadd.s32 $0x800, s6;
	[sflag:s29] =	ssyncadd.s32 $0xFFFFFF80  }
0xc6: {  	[hbm4b:s6+s2] =	stream.linear.scatter [tilespmem:s9], [sflag:$0x3], $0x4000, $0x38;
	[tilespmem:$0x4800] =	vst v63  }
0xc7: {  	p0 =	sne.s32 s0, $0x600;
	_ =	swait.ge [sflag:s7], $0x4000  }
.Ltmp0:
0xc8: {  	s30 =	rddreg [dreg:$0x2];
	[sflag:s7] =	ssyncset.done $0x0;
	(pc) =	sbr.rel @p0 .LBB2_2-.Ltmp0, $4  }
0xc9: {  	[sflag:s7] =	ssyncadd.s32 $0xFFFFC000;
	s1 =	sadd.s32 s31, s30  }
0xca: {  	[hbm4b:s1+s2] =	stream.linear.scatter [tilespmem:s10], [sflag:$0x3], $0x400, $0x38;
	[tilespmem:$0x4800] =	vst v63  }
0xcb: {  	s5 =	smov.u32 s0;
	s0 =	sadd.s32 $0x80, s0;
	_ =	swait.ge [sflag:s7], $0x400  }
0xcc: {  	s31 =	smov.u32 s5;
	s1 =	rddreg [dreg:$0x3];
	[sflag:s7] =	ssyncset.done $0x0  }
0xcd: {  	[sflag:s7] =	ssyncadd.s32 $0xFFFFFC00;
	s0 =	sadd.s32 s31, s1  }
0xce: {  	[tilespmem:s2], [sflag:$0x3] =	stream.linear.gather [hbm4b:s0+s2], $0x400, $0x38;
	[tilespmem:$0x4800] =	vst v63  }
0xcf: {  	_ =	swait.ge [sflag:s7], $0x400  }
0xd0: {  	[sflag:s7] =	ssyncset.done $0x0  }
0xd1: {  	[sflag:s7] =	ssyncadd.s32 $0xFFFFFC00  }
0xd2: {  	[tilespmem:s9], [sflag:$0x1] =	stream.indirect.gather [hbm4b:s3+s8], $0x10, s2, s8, $0xb8;
	[tilespmem:$0x4800] =	vst v63  }
0xd3: {  	_ = 	snop  }
0xd4: {  	[tilespmem:s10], [sflag:$0x2] =	stream.indirect.gather [hbm4b:s4+s8], $0x1, s2, s8, $0xb8;
	[tilespmem:$0x4800] =	vst v63  }
0xd5: {  	s5 =	rddreg [dreg:$0x4]  }
0xd6: {  	[tilespmem:s5], [sflag:$0x1] =	stream.indirect.gather [hbm4b:s3+s8], $0x10, s8, s8, $0xb8;
	[tilespmem:$0x4800] =	vst v63  }
0xd7: {  	s30 =	rddreg [dreg:$0x5]  }
0xd8: {  	[tilespmem:s30], [sflag:$0x2] =	stream.indirect.gather [hbm4b:s4+s8], $0x1, s8, s8, $0xb8;
	[tilespmem:$0x4800] =	vst v63  }
0xd9: {  	s5 =	rddreg [dreg:$0x6]  }
0xda: {  	[tilespmem:s5], [sflag:$0x1] =	stream.indirect.gather [hbm4b:s3+s8], $0x10, s11, s8, $0xb8;
	[tilespmem:$0x4800] =	vst v63  }
0xdb: {  	s30 =	rddreg [dreg:$0x7]  }
0xdc: {  	[tilespmem:s30], [sflag:$0x2] =	stream.indirect.gather [hbm4b:s4+s8], $0x1, s11, s8, $0xb8;
	[tilespmem:$0x4800] =	vst v63  }
0xdd: {  	_ = 	snop  }
0xde: {  	[tilespmem:s13], [sflag:$0x1] =	stream.indirect.gather [hbm4b:s3+s8], $0x10, s12, s8, $0xb8;
	[tilespmem:$0x4800] =	vst v63  }
0xdf: {  	_ = 	snop  }
0xe0: {  	[tilespmem:s14], [sflag:$0x2] =	stream.indirect.gather [hbm4b:s4+s8], $0x1, s12, s8, $0xb8;
	[tilespmem:$0x4800] =	vst v63  }
0xe1: {  	_ = 	snop  }
0xe2: {  	[tilespmem:s16], [sflag:$0x1] =	stream.indirect.gather [hbm4b:s3+s8], $0x10, s15, s8, $0xb8;
	[tilespmem:$0x4800] =	vst v63  }
0xe3: {  	_ = 	snop  }
0xe4: {  	[tilespmem:s17], [sflag:$0x2] =	stream.indirect.gather [hbm4b:s4+s8], $0x1, s15, s8, $0xb8;
	[tilespmem:$0x4800] =	vst v63  }
0xe5: {  	_ = 	snop  }
0xe6: {  	[tilespmem:s19], [sflag:$0x1] =	stream.indirect.gather [hbm4b:s3+s8], $0x10, s18, s8, $0xb8;
	[tilespmem:$0x4800] =	vst v63  }
0xe7: {  	_ = 	snop  }
0xe8: {  	[tilespmem:s20], [sflag:$0x2] =	stream.indirect.gather [hbm4b:s4+s8], $0x1, s18, s8, $0xb8;
	[tilespmem:$0x4800] =	vst v63  }
0xe9: {  	_ = 	snop  }
0xea: {  	[tilespmem:s22], [sflag:$0x1] =	stream.indirect.gather [hbm4b:s3+s8], $0x10, s21, s8, $0xb8;
	[tilespmem:$0x4800] =	vst v63  }
0xeb: {  	_ = 	snop  }
0xec: {  	[tilespmem:s23], [sflag:$0x2] =	stream.indirect.gather [hbm4b:s4+s8], $0x1, s21, s8, $0xb8;
	[tilespmem:$0x4800] =	vst v63  }
0xed: {  	_ = 	snop  }
0xee: {  	[tilespmem:s25], [sflag:$0x1] =	stream.indirect.gather [hbm4b:s3+s8], $0x10, s24, s8, $0xb8;
	[tilespmem:$0x4800] =	vst v63  }
0xef: {  	_ = 	snop  }
0xf0: {  	[tilespmem:s26], [sflag:$0x2] =	stream.indirect.gather [hbm4b:s4+s8], $0x1, s24, s8, $0xb8;
	[tilespmem:$0x4800] =	vst v63  }
0xf1: {  	_ =	swait.ge [sflag:s28], $0x800  }
0xf2: {  	[sflag:s28] =	ssyncset.done $0x0  }
0xf3: {  	[sflag:s28] =	ssyncadd.s32 $0xFFFFF800  }
0xf4: {  	_ =	swait.ge [sflag:s29], $0x80  }
0xf5: {  	[sflag:s29] =	ssyncset.done $0x0  }
0xf6: {  	[sflag:s29] =	ssyncadd.s32 $0xFFFFFF80  }
0xf7: {  	_ =	swait.ge [sflag:s28], $0x800  }
0xf8: {  	[sflag:s28] =	ssyncset.done $0x0  }
0xf9: {  	[sflag:s28] =	ssyncadd.s32 $0xFFFFF800  }
0xfa: {  	_ =	swait.ge [sflag:s29], $0x80  }
0xfb: {  	[sflag:s29] =	ssyncset.done $0x0  }
0xfc: {  	[sflag:s29] =	ssyncadd.s32 $0xFFFFFF80  }
0xfd: {  	_ =	swait.ge [sflag:s28], $0x800  }
0xfe: {  	[sflag:s28] =	ssyncset.done $0x0  }
0xff: {  	[sflag:s28] =	ssyncadd.s32 $0xFFFFF800  }
0x100: {  	_ =	swait.ge [sflag:s29], $0x80  }
0x101: {  	[sflag:s29] =	ssyncset.done $0x0  }
0x102: {  	[sflag:s29] =	ssyncadd.s32 $0xFFFFFF80  }
0x103: {  	_ =	swait.ge [sflag:s28], $0x800  }
0x104: {  	[sflag:s28] =	ssyncset.done $0x0  }
0x105: {  	[sflag:s28] =	ssyncadd.s32 $0xFFFFF800  }
0x106: {  	_ =	swait.ge [sflag:s29], $0x80  }
0x107: {  	[sflag:s29] =	ssyncset.done $0x0  }
0x108: {  	[sflag:s29] =	ssyncadd.s32 $0xFFFFFF80  }
0x109: {  	_ =	swait.ge [sflag:s28], $0x800  }
0x10a: {  	[sflag:s28] =	ssyncset.done $0x0  }
0x10b: {  	[sflag:s28] =	ssyncadd.s32 $0xFFFFF800  }
0x10c: {  	_ =	swait.ge [sflag:s29], $0x80  }
0x10d: {  	[sflag:s29] =	ssyncset.done $0x0  }
0x10e: {  	[sflag:s29] =	ssyncadd.s32 $0xFFFFFF80  }
0x10f: {  	_ =	swait.ge [sflag:s28], $0x800  }
0x110: {  	[sflag:s28] =	ssyncset.done $0x0  }
0x111: {  	[sflag:s28] =	ssyncadd.s32 $0xFFFFF800  }
0x112: {  	_ =	swait.ge [sflag:s29], $0x80  }
0x113: {  	[sflag:s29] =	ssyncset.done $0x0  }
0x114: {  	[sflag:s29] =	ssyncadd.s32 $0xFFFFFF80  }
0x115: {  	_ =	swait.ge [sflag:s28], $0x800  }
0x116: {  	[sflag:s28] =	ssyncset.done $0x0  }
0x117: {  	[sflag:s28] =	ssyncadd.s32 $0xFFFFF800  }
0x118: {  	_ =	swait.ge [sflag:s29], $0x80  }
0x119: {  	[sflag:s29] =	ssyncset.done $0x0  }
0x11a: {  	[sflag:s29] =	ssyncadd.s32 $0xFFFFFF80  }
0x11b: {  	_ =	swait.ge [sflag:s28], $0x800  }
0x11c: {  	[sflag:s28] =	ssyncset.done $0x0  }
0x11d: {  	[sflag:s28] =	ssyncadd.s32 $0xFFFFF800  }
0x11e: {  	_ =	swait.ge [sflag:s29], $0x80  }
0x11f: {  	[sflag:s29] =	ssyncset.done $0x0  }
0x120: {  	s5 =	sadd.s32 $0x800, s6;
	[sflag:s29] =	ssyncadd.s32 $0xFFFFFF80  }
0x121: {  	[hbm4b:s5+s2] =	stream.linear.scatter [tilespmem:s9], [sflag:$0x3], $0x4000, $0x38;
	[tilespmem:$0x4800] =	vst v63  }
0x122: {  	_ =	swait.ge [sflag:s7], $0x4000  }
0x123: {  	s6 =	rddreg [dreg:$0x2];
	[sflag:s7] =	ssyncset.done $0x0  }
0x124: {  	s0 =	sadd.s32 s31, s6;
	[sflag:s7] =	ssyncadd.s32 $0xFFFFC000  }
0x125: {  	[hbm4b:s0+s2] =	stream.linear.scatter [tilespmem:s10], [sflag:$0x3], $0x400, $0x38;
	[tilespmem:$0x4800] =	vst v63  }
0x126: {  	_ =	swait.ge [sflag:s7], $0x400  }
0x127: {  	s30 =	rddreg [dreg:$0xa]  }
0x128: {  	s31 =	rddreg [dreg:$0x8];
	s1 =	sadd.s32 $0x1, s30  }
0x129: {  	p0 =	sne.s32 s1, s31  }
.Ltmp1:
0x12a: {  	_ = 	snop;
	(pc) =	sbr.rel @p0 .LBB2_1-.Ltmp1, $3  }
0x12b: {  	_ =	sdelay $0x1  }
0x12c: {  	[sflag:s7] =	ssyncset.done $0x0  }
0x12d: {  	[sflag:s7] =	ssyncadd.s32 $0xFFFFFC00  }
0x12e: {  	_ =	sfence.sel $0x180000  }
0x12f: {  	[bflag:$0x0] =	sbarrier.arrive $0xFFFF  }
0x130: {  	_ =	strace $0x90000047  }
0x131: {  	s0 =	stileid.u32;
	[bflag:$0x2] =	sbarrier.arrive $0xFFFF  }
0x132: {  	p0 =	sne.s32 s0, $0x0;
	s0 =	rddreg [dreg:$0x1]  }
0x133: {  	s0 =	sadd.s32 @!p0 $0x100000, s0  }
0x134: {  	[sflag:s0] =	ssyncadd.tile.s32 @!p0 $0x1;
	_ =	shalt  }
.Lfunc_end2:
_tile_overlayer_lowered:
.L_overlay_start_2:
0x135: {  	(tag) =	ssettag $0x2  }
0x136: {  	s0 =	rddreg [dreg:$0x0];
	s2 =	stileid.u32  }
0x137: {  	s1 =	rddreg [dreg:$0x1];
	p0 =	sne.s32 s2, $0x0  }
0x138: {  	s3 =	rddreg [dreg:$0x2];
	[bflag:$0x3] =	sbarrier.arrive $0xFFFF;
	s2 =	simm.s32 @!p0 $0x1C03  }
0x139: {  	[timem:s3], [sflag:s2] =	dma.local @!p0 [hbm:s0], s1  }
0x13a: {  	s0 =	simm.s32 @!p0 $0x3  }
0x13b: {  	_ =	swait.ge @!p0 [sflag:s0], s1  }
0x13c: {  	s1 =	ssub.s32 @!p0 $0x0, s1;
	[sflag:s0] =	ssyncset.done @!p0 $0x0  }
0x13d: {  	[sflag:s0] =	ssyncadd.s32 @!p0 s1  }
0x13e: {  	[bflag:$0x3] =	sbarrier.arrive $0xFFFF  }
0x13f: {  	_ =	shalt  }

</sc_bundles>
